<compile_context>
chip_gen: v7x
topology: tpu7x:2x2x1
jax: 0.10.2.dev20260603
libtpu: 0.0.44.dev20260713+nightly
codegen_flags: <defaults>
</compile_context>

<pallas_src>
import functools

import jax
import jax.numpy as jnp
from jax import lax
from jax.experimental import pallas as pl
from jax.experimental.pallas import tpu as pltpu
from jax.experimental.pallas import tpu_sc as plsc

_S = 128
_B = 8
_FLAT = _S * _S
_PAD = 64
_INV_COUNT = 1.0 / (_B * (_S - 2))


def _make_kernel():
    mesh = plsc.VectorSubcoreMesh(
        core_axis_name="c", subcore_axis_name="s", num_cores=1
    )

    @functools.partial(
        pl.kernel,
        mesh=mesh,
        out_type=jax.ShapeDtypeStruct((16, 16), jnp.float32),
        compiler_params=pltpu.CompilerParams(needs_layout_passes=False),
        scratch_types=[
            pltpu.VMEM((_FLAT + _PAD,), jnp.float32),
            pltpu.VMEM((16,), jnp.float32),
        ],
    )
    def diag_std_kernel(attn_hbm, out_hbm, buf, part_v):
        s = lax.axis_index("s")
        batch = s >> 1
        half = s & 1

        def _copy(nrows):
            def f():
                pltpu.sync_copy(
                    attn_hbm.at[batch, pl.ds(0, nrows * _S)],
                    buf.at[pl.ds(0, nrows * _S)],
                )
            return f

        lax.switch(half, [_copy(127), _copy(95)])

        lane = lax.iota(jnp.int32, 16)

        def sel(a, b):
            return jnp.where(half == 0, a, b)

        d0s = [sel(1, 33), sel(17, 49), sel(97, 65), sel(113, 81)]
        dvs = [d0 + lane for d0 in d0s]
        nchunk_seq = [4, 2, 1]
        nblocks = [sel(16, 32), sel(40, 8), 8]

        def unit(base, dv, i, sacc, qacc):
            x = buf[pl.ds(base, 16)]
            m = (dv + i) < _S
            x = jnp.where(m, x, 0.0)
            return sacc + x, qacc + x * x

        zero = jnp.zeros((16,), jnp.float32)
        accs = [(zero, zero)] * 4
        row0 = 0
        for phase in range(3):
            nchunks = nchunk_seq[phase]

            def body(j, carry, row0=row0, nchunks=nchunks):
                out = list(carry)
                i = row0 + j * 2
                for k in range(nchunks):
                    sc_, qc_ = out[2 * k], out[2 * k + 1]
                    base = d0s[k] + 129 * i
                    sc_, qc_ = unit(base, dvs[k], i, sc_, qc_)
                    sc_, qc_ = unit(base + 129, dvs[k], i + 1, sc_, qc_)
                    out[2 * k], out[2 * k + 1] = sc_, qc_
                return tuple(out)

            flat_accs = tuple(x for pair in accs[:nchunks] for x in pair)
            flat_accs = lax.fori_loop(0, nblocks[phase], body, flat_accs)
            for k in range(nchunks):
                accs[k] = (flat_accs[2 * k], flat_accs[2 * k + 1])
            row0 = row0 + nblocks[phase] * 2

        nfs = [(_S - dv).astype(jnp.float32) for dv in dvs]
        var4 = [
            jnp.maximum((q - s_ * s_ / nf) / (nf - 1.0), 0.0)
            for (s_, q), nf in zip(accs, nfs)
        ]
        ys = tuple((v + 1.0) * 0.5 for v in var4)

        def newton(_, ys):
            return tuple(0.5 * (y + v / y) for y, v in zip(ys, var4))

        ys = lax.fori_loop(0, 12, newton, ys)

        partial = zero
        for k in range(4):
            partial = partial + jnp.where(
                dvs[k] <= _S - 2, ys[k] * nfs[k] * 0.2, 0.0
            )
        part_v[...] = partial * _INV_COUNT
        pltpu.sync_copy(part_v, out_hbm.at[s])

    return diag_std_kernel


_diag_std = _make_kernel()


def kernel(attn):
    flat = attn.reshape(_B, _FLAT)
    out = _diag_std(flat)
    return jnp.sum(out)

# --- scband reference (transcript-rebuilt; emitter-appended) ---
"""Pipeline reference for scband-reg-version-1-40570261078378 (READ-ONLY COPY).

The authoritative reference and input builder live on the scoring server;
editing this copy changes nothing except your own understanding.
"""

import jax, jax.numpy as jnp
import numpy as np


def setup_inputs(seed: int = 0) -> dict:
    key = jax.random.key(seed)
    attn = jax.random.normal(key, (8, 128, 128), dtype=jnp.float32)
    return {"attn": attn}


def reference(attn) -> jnp.ndarray:
    # Faithful translation of Reg_version_1.forward.
    # For each batch element, for diagonal offset d = 1 .. S-2 (the last
    # off-diagonal, which has a single element, is excluded), compute the
    # unbiased std of (diagonal elements * num_elements / 5), then average
    # over the offsets, then average over the batch.
    B, S, _ = attn.shape
    per_offset = []
    for d in range(1, S - 1):  # excludes the length-1 diagonal (d = S-1)
        diag = jnp.diagonal(attn, offset=d, axis1=1, axis2=2)  # [B, S-d]
        n = S - d  # len(distance_record[d-1])
        scaled = diag * n / 5.0
        # torch.std default is unbiased (ddof=1)
        std = jnp.std(scaled, axis=1, ddof=1)  # [B]
        per_offset.append(std)
    stacked = jnp.stack(per_offset, axis=1)  # [B, S-2]
    per_batch = jnp.mean(stacked, axis=1)    # mean over offsets per batch item
    result = jnp.mean(per_batch)             # mean over batch
    return result

if __name__ == "__main__":
    import jax
    _d = setup_inputs()
    print(jax.jit(kernel)(*tuple(_d.values())))

</pallas_src>

<mosaic_0001>
#map = affine_map<(d0, d1) -> (0, 0)>
module attributes {stable_mosaic.version = 14 : i64} {
  func.func @diag_std_kernel(%arg0: i32, %arg1: i32, %arg2: memref<8x16384xf32, #tpu.memory_space<hbm>>, %arg3: memref<16x16xf32, #tpu.memory_space<hbm>>, %arg4: memref<16448xf32, #tpu.memory_space<vmem>>, %arg5: memref<16xf32, #tpu.memory_space<vmem>>) attributes {dimension_semantics = [#tpu.dimension_semantics<core_parallel>, #tpu.dimension_semantics<subcore_parallel>], iteration_bounds = array<i64: 1, 16>, scalar_prefetch = 0 : i64, scratch_operands = 2 : i64, tpu.core_type = #tpu.core_type<sc_vector_subcore>, window_params = [{transform_indices = #map}, {transform_indices = #map}]} {
    %shift_right_arithmetic3A = arith.constant 1 : i32
    %shift_right_arithmetic3A_0 = arith.shrsi %arg1, %shift_right_arithmetic3A : i32
    %and3A = arith.constant 1 : i32
    %and3A_1 = arith.andi %arg1, %and3A : i32
    %clamp3A = arith.constant 0 : i32
    %clamp3A_2 = arith.constant 1 : i32
    %clamp3A_3 = arith.maxsi %and3A_1, %clamp3A : i32
    %clamp3A_4 = arith.minsi %clamp3A_3, %clamp3A_2 : i32
    %cond3A = arith.constant 0 : i32
    %cond3A_5 = arith.cmpi ne, %clamp3A_4, %cond3A : i32
    scf.if %cond3A_5 {
      "tpu.region"() ({
        %run_scoped3A = tpu.sem_alloc : memref<!tpu.dma_semaphore, #tpu.memory_space<semaphore_mem>>
        %dma_start3A = arith.constant 0 : i32
        %dma_start3A_204 = tpu.memref_slice %arg4[%dma_start3A] : memref<16448xf32, #tpu.memory_space<vmem>> -> memref<12160xf32, #tpu.memory_space<vmem>>
        %dma_start3A_205 = arith.constant 0 : i32
        %dma_start3A_206 = tpu.memref_slice %arg2[%shift_right_arithmetic3A_0, %dma_start3A_205] : memref<8x16384xf32, #tpu.memory_space<hbm>> -> memref<1x12160xf32, #tpu.memory_space<hbm>>
        %dma_start3A_207 = tpu.memref_squeeze %dma_start3A_206 : memref<1x12160xf32, #tpu.memory_space<hbm>> -> memref<12160xf32, #tpu.memory_space<hbm>>
        %dma_start3A_208 = arith.constant 0 : i32
        %dma_start3A_209 = tpu.memref_slice %arg4[%dma_start3A_208] : memref<16448xf32, #tpu.memory_space<vmem>> -> memref<12160xf32, #tpu.memory_space<vmem>>
        %dma_start3A_210 = arith.constant 0 : i32
        %dma_start3A_211 = tpu.memref_slice %arg2[%shift_right_arithmetic3A_0, %dma_start3A_210] : memref<8x16384xf32, #tpu.memory_space<hbm>> -> memref<1x12160xf32, #tpu.memory_space<hbm>>
        %dma_start3A_212 = tpu.memref_squeeze %dma_start3A_211 : memref<1x12160xf32, #tpu.memory_space<hbm>> -> memref<12160xf32, #tpu.memory_space<hbm>>
        tpu.enqueue_dma source(%dma_start3A_212 : memref<12160xf32, #tpu.memory_space<hbm>>) target(%dma_start3A_209 : memref<12160xf32, #tpu.memory_space<vmem>>) target_semaphore(%run_scoped3A : memref<!tpu.dma_semaphore, #tpu.memory_space<semaphore_mem>>)
        %dma_wait3A = arith.constant 0 : i32
        %dma_wait3A_213 = tpu.memref_slice %arg4[%dma_wait3A] : memref<16448xf32, #tpu.memory_space<vmem>> -> memref<12160xf32, #tpu.memory_space<vmem>>
        %dma_wait3A_214 = arith.constant 0 : i32
        %dma_wait3A_215 = tpu.memref_slice %arg2[%shift_right_arithmetic3A_0, %dma_wait3A_214] : memref<8x16384xf32, #tpu.memory_space<hbm>> -> memref<1x12160xf32, #tpu.memory_space<hbm>>
        %dma_wait3A_216 = tpu.memref_squeeze %dma_wait3A_215 : memref<1x12160xf32, #tpu.memory_space<hbm>> -> memref<12160xf32, #tpu.memory_space<hbm>>
        %dma_wait3A_217 = arith.constant 0 : i32
        %dma_wait3A_218 = tpu.memref_slice %arg4[%dma_wait3A_217] : memref<16448xf32, #tpu.memory_space<vmem>> -> memref<12160xf32, #tpu.memory_space<vmem>>
        %dma_wait3A_219 = arith.constant 0 : i32
        %dma_wait3A_220 = tpu.memref_slice %arg2[%shift_right_arithmetic3A_0, %dma_wait3A_219] : memref<8x16384xf32, #tpu.memory_space<hbm>> -> memref<1x12160xf32, #tpu.memory_space<hbm>>
        %dma_wait3A_221 = tpu.memref_squeeze %dma_wait3A_220 : memref<1x12160xf32, #tpu.memory_space<hbm>> -> memref<12160xf32, #tpu.memory_space<hbm>>
        tpu.wait_dma2 semaphore(%run_scoped3A : memref<!tpu.dma_semaphore, #tpu.memory_space<semaphore_mem>>) src(%dma_wait3A_221 : memref<12160xf32, #tpu.memory_space<hbm>>) dst(%dma_wait3A_218 : memref<12160xf32, #tpu.memory_space<vmem>>)
        tpu.yield
      }) : () -> ()
    } else {
      "tpu.region"() ({
        %run_scoped3A = tpu.sem_alloc : memref<!tpu.dma_semaphore, #tpu.memory_space<semaphore_mem>>
        %dma_start3A = arith.constant 0 : i32
        %dma_start3A_204 = tpu.memref_slice %arg4[%dma_start3A] : memref<16448xf32, #tpu.memory_space<vmem>> -> memref<16256xf32, #tpu.memory_space<vmem>>
        %dma_start3A_205 = arith.constant 0 : i32
        %dma_start3A_206 = tpu.memref_slice %arg2[%shift_right_arithmetic3A_0, %dma_start3A_205] : memref<8x16384xf32, #tpu.memory_space<hbm>> -> memref<1x16256xf32, #tpu.memory_space<hbm>>
        %dma_start3A_207 = tpu.memref_squeeze %dma_start3A_206 : memref<1x16256xf32, #tpu.memory_space<hbm>> -> memref<16256xf32, #tpu.memory_space<hbm>>
        %dma_start3A_208 = arith.constant 0 : i32
        %dma_start3A_209 = tpu.memref_slice %arg4[%dma_start3A_208] : memref<16448xf32, #tpu.memory_space<vmem>> -> memref<16256xf32, #tpu.memory_space<vmem>>
        %dma_start3A_210 = arith.constant 0 : i32
        %dma_start3A_211 = tpu.memref_slice %arg2[%shift_right_arithmetic3A_0, %dma_start3A_210] : memref<8x16384xf32, #tpu.memory_space<hbm>> -> memref<1x16256xf32, #tpu.memory_space<hbm>>
        %dma_start3A_212 = tpu.memref_squeeze %dma_start3A_211 : memref<1x16256xf32, #tpu.memory_space<hbm>> -> memref<16256xf32, #tpu.memory_space<hbm>>
        tpu.enqueue_dma source(%dma_start3A_212 : memref<16256xf32, #tpu.memory_space<hbm>>) target(%dma_start3A_209 : memref<16256xf32, #tpu.memory_space<vmem>>) target_semaphore(%run_scoped3A : memref<!tpu.dma_semaphore, #tpu.memory_space<semaphore_mem>>)
        %dma_wait3A = arith.constant 0 : i32
        %dma_wait3A_213 = tpu.memref_slice %arg4[%dma_wait3A] : memref<16448xf32, #tpu.memory_space<vmem>> -> memref<16256xf32, #tpu.memory_space<vmem>>
        %dma_wait3A_214 = arith.constant 0 : i32
        %dma_wait3A_215 = tpu.memref_slice %arg2[%shift_right_arithmetic3A_0, %dma_wait3A_214] : memref<8x16384xf32, #tpu.memory_space<hbm>> -> memref<1x16256xf32, #tpu.memory_space<hbm>>
        %dma_wait3A_216 = tpu.memref_squeeze %dma_wait3A_215 : memref<1x16256xf32, #tpu.memory_space<hbm>> -> memref<16256xf32, #tpu.memory_space<hbm>>
        %dma_wait3A_217 = arith.constant 0 : i32
        %dma_wait3A_218 = tpu.memref_slice %arg4[%dma_wait3A_217] : memref<16448xf32, #tpu.memory_space<vmem>> -> memref<16256xf32, #tpu.memory_space<vmem>>
        %dma_wait3A_219 = arith.constant 0 : i32
        %dma_wait3A_220 = tpu.memref_slice %arg2[%shift_right_arithmetic3A_0, %dma_wait3A_219] : memref<8x16384xf32, #tpu.memory_space<hbm>> -> memref<1x16256xf32, #tpu.memory_space<hbm>>
        %dma_wait3A_221 = tpu.memref_squeeze %dma_wait3A_220 : memref<1x16256xf32, #tpu.memory_space<hbm>> -> memref<16256xf32, #tpu.memory_space<hbm>>
        tpu.wait_dma2 semaphore(%run_scoped3A : memref<!tpu.dma_semaphore, #tpu.memory_space<semaphore_mem>>) src(%dma_wait3A_221 : memref<16256xf32, #tpu.memory_space<hbm>>) dst(%dma_wait3A_218 : memref<16256xf32, #tpu.memory_space<vmem>>)
        tpu.yield
      }) : () -> ()
    }
    %iota3A = tpu.iota {dimensions = array<i32: 0>} : vector<16xi32>
    %eq3A = arith.constant 0 : i32
    %eq3A_6 = arith.cmpi eq, %and3A_1, %eq3A : i32
    %jit3A = arith.constant 1 : i32
    %jit3A_7 = arith.constant 33 : i32
    %select_n3A = arith.select %eq3A_6, %jit3A, %jit3A_7 : i32
    %eq3A_8 = arith.constant 0 : i32
    %eq3A_9 = arith.cmpi eq, %and3A_1, %eq3A_8 : i32
    %jit3A_10 = arith.constant 17 : i32
    %jit3A_11 = arith.constant 49 : i32
    %select_n3A_12 = arith.select %eq3A_9, %jit3A_10, %jit3A_11 : i32
    %eq3A_13 = arith.constant 0 : i32
    %eq3A_14 = arith.cmpi eq, %and3A_1, %eq3A_13 : i32
    %jit3A_15 = arith.constant 97 : i32
    %jit3A_16 = arith.constant 65 : i32
    %select_n3A_17 = arith.select %eq3A_14, %jit3A_15, %jit3A_16 : i32
    %eq3A_18 = arith.constant 0 : i32
    %eq3A_19 = arith.cmpi eq, %and3A_1, %eq3A_18 : i32
    %jit3A_20 = arith.constant 113 : i32
    %jit3A_21 = arith.constant 81 : i32
    %select_n3A_22 = arith.select %eq3A_19, %jit3A_20, %jit3A_21 : i32
    %add3A = vector.broadcast %select_n3A : i32 to vector<16xi32>
    %add3A_23 = arith.addi %add3A, %iota3A : vector<16xi32>
    %add3A_24 = vector.broadcast %select_n3A_12 : i32 to vector<16xi32>
    %add3A_25 = arith.addi %add3A_24, %iota3A : vector<16xi32>
    %add3A_26 = vector.broadcast %select_n3A_17 : i32 to vector<16xi32>
    %add3A_27 = arith.addi %add3A_26, %iota3A : vector<16xi32>
    %add3A_28 = vector.broadcast %select_n3A_22 : i32 to vector<16xi32>
    %add3A_29 = arith.addi %add3A_28, %iota3A : vector<16xi32>
    %eq3A_30 = arith.constant 0 : i32
    %eq3A_31 = arith.cmpi eq, %and3A_1, %eq3A_30 : i32
    %jit3A_32 = arith.constant 16 : i32
    %jit3A_33 = arith.constant 32 : i32
    %select_n3A_34 = arith.select %eq3A_31, %jit3A_32, %jit3A_33 : i32
    %eq3A_35 = arith.constant 0 : i32
    %eq3A_36 = arith.cmpi eq, %and3A_1, %eq3A_35 : i32
    %jit3A_37 = arith.constant 40 : i32
    %jit3A_38 = arith.constant 8 : i32
    %select_n3A_39 = arith.select %eq3A_36, %jit3A_37, %jit3A_38 : i32
    %broadcast_in_dim3A = arith.constant 0.000000e+00 : f32
    %broadcast_in_dim3A_40 = vector.broadcast %broadcast_in_dim3A : f32 to vector<16xf32>
    %while3A = arith.constant 0 : i32
    %while3A_41 = arith.subi %select_n3A_34, %while3A : i32
    %while3A_42 = arith.addi %while3A, %while3A_41 : i32
    %while3A_43 = arith.constant 1 : i32
    %while3A_44 = arith.divsi %while3A_41, %while3A_43 : i32
    %while3A_45 = arith.muli %while3A_44, %while3A_43 : i32
    %while3A_46 = arith.addi %while3A, %while3A_45 : i32
    %while3A_47 = arith.constant 1 : i32
    %while3A_48:8 = scf.for %while3A_204 = %while3A to %while3A_46 step %while3A_47 iter_args(%while3A_205 = %broadcast_in_dim3A_40, %while3A_206 = %broadcast_in_dim3A_40, %while3A_207 = %broadcast_in_dim3A_40, %while3A_208 = %broadcast_in_dim3A_40, %while3A_209 = %broadcast_in_dim3A_40, %while3A_210 = %broadcast_in_dim3A_40, %while3A_211 = %broadcast_in_dim3A_40, %while3A_212 = %broadcast_in_dim3A_40) -> (vector<16xf32>, vector<16xf32>, vector<16xf32>, vector<16xf32>, vector<16xf32>, vector<16xf32>, vector<16xf32>, vector<16xf32>)  : i32 {
      %mul3A_213 = arith.constant 2 : i32
      %mul3A_214 = arith.muli %while3A_204, %mul3A_213 : i32
      %add3A_215 = arith.constant 0 : i32
      %add3A_216 = arith.addi %add3A_215, %mul3A_214 : i32
      %mul3A_217 = arith.constant 129 : i32
      %mul3A_218 = arith.muli %mul3A_217, %add3A_216 : i32
      %add3A_219 = arith.addi %select_n3A, %mul3A_218 : i32
      %get3A = arith.index_cast %add3A_219 : i32 to index
      %get3A_220 = tpu.vector_load %arg4[%get3A] {strides = array<i32>} : memref<16448xf32, #tpu.memory_space<vmem>>, vector<16xf32>,
      %add3A_221 = vector.broadcast %add3A_216 : i32 to vector<16xi32>
      %add3A_222 = arith.addi %add3A_23, %add3A_221 : vector<16xi32>
      %lt3A = arith.constant 128 : i32
      %lt3A_223 = vector.broadcast %lt3A : i32 to vector<16xi32>
      %lt3A_224 = arith.cmpi slt, %add3A_222, %lt3A_223 : vector<16xi32>
      %jit3A_225 = arith.constant 0.000000e+00 : f32
      %broadcast_in_dim3A_226 = vector.broadcast %jit3A_225 : f32 to vector<16xf32>
      %select_n3A_227 = arith.select %lt3A_224, %get3A_220, %broadcast_in_dim3A_226 : vector<16xi1>, vector<16xf32>
      %add3A_228 = arith.addf %while3A_205, %select_n3A_227 : vector<16xf32>
      %mul3A_229 = arith.mulf %select_n3A_227, %select_n3A_227 : vector<16xf32>
      %add3A_230 = arith.addf %while3A_206, %mul3A_229 : vector<16xf32>
      %add3A_231 = arith.constant 129 : i32
      %add3A_232 = arith.addi %add3A_219, %add3A_231 : i32
      %add3A_233 = arith.constant 1 : i32
      %add3A_234 = arith.addi %add3A_216, %add3A_233 : i32
      %get3A_235 = arith.index_cast %add3A_232 : i32 to index
      %get3A_236 = tpu.vector_load %arg4[%get3A_235] {strides = array<i32>} : memref<16448xf32, #tpu.memory_space<vmem>>, vector<16xf32>,
      %add3A_237 = vector.broadcast %add3A_234 : i32 to vector<16xi32>
      %add3A_238 = arith.addi %add3A_23, %add3A_237 : vector<16xi32>
      %lt3A_239 = arith.constant 128 : i32
      %lt3A_240 = vector.broadcast %lt3A_239 : i32 to vector<16xi32>
      %lt3A_241 = arith.cmpi slt, %add3A_238, %lt3A_240 : vector<16xi32>
      %jit3A_242 = arith.constant 0.000000e+00 : f32
      %broadcast_in_dim3A_243 = vector.broadcast %jit3A_242 : f32 to vector<16xf32>
      %select_n3A_244 = arith.select %lt3A_241, %get3A_236, %broadcast_in_dim3A_243 : vector<16xi1>, vector<16xf32>
      %add3A_245 = arith.addf %add3A_228, %select_n3A_244 : vector<16xf32>
      %mul3A_246 = arith.mulf %select_n3A_244, %select_n3A_244 : vector<16xf32>
      %add3A_247 = arith.addf %add3A_230, %mul3A_246 : vector<16xf32>
      %mul3A_248 = arith.constant 129 : i32
      %mul3A_249 = arith.muli %mul3A_248, %add3A_216 : i32
      %add3A_250 = arith.addi %select_n3A_12, %mul3A_249 : i32
      %get3A_251 = arith.index_cast %add3A_250 : i32 to index
      %get3A_252 = tpu.vector_load %arg4[%get3A_251] {strides = array<i32>} : memref<16448xf32, #tpu.memory_space<vmem>>, vector<16xf32>,
      %add3A_253 = vector.broadcast %add3A_216 : i32 to vector<16xi32>
      %add3A_254 = arith.addi %add3A_25, %add3A_253 : vector<16xi32>
      %lt3A_255 = arith.constant 128 : i32
      %lt3A_256 = vector.broadcast %lt3A_255 : i32 to vector<16xi32>
      %lt3A_257 = arith.cmpi slt, %add3A_254, %lt3A_256 : vector<16xi32>
      %jit3A_258 = arith.constant 0.000000e+00 : f32
      %broadcast_in_dim3A_259 = vector.broadcast %jit3A_258 : f32 to vector<16xf32>
      %select_n3A_260 = arith.select %lt3A_257, %get3A_252, %broadcast_in_dim3A_259 : vector<16xi1>, vector<16xf32>
      %add3A_261 = arith.addf %while3A_207, %select_n3A_260 : vector<16xf32>
      %mul3A_262 = arith.mulf %select_n3A_260, %select_n3A_260 : vector<16xf32>
      %add3A_263 = arith.addf %while3A_208, %mul3A_262 : vector<16xf32>
      %add3A_264 = arith.constant 129 : i32
      %add3A_265 = arith.addi %add3A_250, %add3A_264 : i32
      %add3A_266 = arith.constant 1 : i32
      %add3A_267 = arith.addi %add3A_216, %add3A_266 : i32
      %get3A_268 = arith.index_cast %add3A_265 : i32 to index
      %get3A_269 = tpu.vector_load %arg4[%get3A_268] {strides = array<i32>} : memref<16448xf32, #tpu.memory_space<vmem>>, vector<16xf32>,
      %add3A_270 = vector.broadcast %add3A_267 : i32 to vector<16xi32>
      %add3A_271 = arith.addi %add3A_25, %add3A_270 : vector<16xi32>
      %lt3A_272 = arith.constant 128 : i32
      %lt3A_273 = vector.broadcast %lt3A_272 : i32 to vector<16xi32>
      %lt3A_274 = arith.cmpi slt, %add3A_271, %lt3A_273 : vector<16xi32>
      %jit3A_275 = arith.constant 0.000000e+00 : f32
      %broadcast_in_dim3A_276 = vector.broadcast %jit3A_275 : f32 to vector<16xf32>
      %select_n3A_277 = arith.select %lt3A_274, %get3A_269, %broadcast_in_dim3A_276 : vector<16xi1>, vector<16xf32>
      %add3A_278 = arith.addf %add3A_261, %select_n3A_277 : vector<16xf32>
      %mul3A_279 = arith.mulf %select_n3A_277, %select_n3A_277 : vector<16xf32>
      %add3A_280 = arith.addf %add3A_263, %mul3A_279 : vector<16xf32>
      %mul3A_281 = arith.constant 129 : i32
      %mul3A_282 = arith.muli %mul3A_281, %add3A_216 : i32
      %add3A_283 = arith.addi %select_n3A_17, %mul3A_282 : i32
      %get3A_284 = arith.index_cast %add3A_283 : i32 to index
      %get3A_285 = tpu.vector_load %arg4[%get3A_284] {strides = array<i32>} : memref<16448xf32, #tpu.memory_space<vmem>>, vector<16xf32>,
      %add3A_286 = vector.broadcast %add3A_216 : i32 to vector<16xi32>
      %add3A_287 = arith.addi %add3A_27, %add3A_286 : vector<16xi32>
      %lt3A_288 = arith.constant 128 : i32
      %lt3A_289 = vector.broadcast %lt3A_288 : i32 to vector<16xi32>
      %lt3A_290 = arith.cmpi slt, %add3A_287, %lt3A_289 : vector<16xi32>
      %jit3A_291 = arith.constant 0.000000e+00 : f32
      %broadcast_in_dim3A_292 = vector.broadcast %jit3A_291 : f32 to vector<16xf32>
      %select_n3A_293 = arith.select %lt3A_290, %get3A_285, %broadcast_in_dim3A_292 : vector<16xi1>, vector<16xf32>
      %add3A_294 = arith.addf %while3A_209, %select_n3A_293 : vector<16xf32>
      %mul3A_295 = arith.mulf %select_n3A_293, %select_n3A_293 : vector<16xf32>
      %add3A_296 = arith.addf %while3A_210, %mul3A_295 : vector<16xf32>
      %add3A_297 = arith.constant 129 : i32
      %add3A_298 = arith.addi %add3A_283, %add3A_297 : i32
      %add3A_299 = arith.constant 1 : i32
      %add3A_300 = arith.addi %add3A_216, %add3A_299 : i32
      %get3A_301 = arith.index_cast %add3A_298 : i32 to index
      %get3A_302 = tpu.vector_load %arg4[%get3A_301] {strides = array<i32>} : memref<16448xf32, #tpu.memory_space<vmem>>, vector<16xf32>,
      %add3A_303 = vector.broadcast %add3A_300 : i32 to vector<16xi32>
      %add3A_304 = arith.addi %add3A_27, %add3A_303 : vector<16xi32>
      %lt3A_305 = arith.constant 128 : i32
      %lt3A_306 = vector.broadcast %lt3A_305 : i32 to vector<16xi32>
      %lt3A_307 = arith.cmpi slt, %add3A_304, %lt3A_306 : vector<16xi32>
      %jit3A_308 = arith.constant 0.000000e+00 : f32
      %broadcast_in_dim3A_309 = vector.broadcast %jit3A_308 : f32 to vector<16xf32>
      %select_n3A_310 = arith.select %lt3A_307, %get3A_302, %broadcast_in_dim3A_309 : vector<16xi1>, vector<16xf32>
      %add3A_311 = arith.addf %add3A_294, %select_n3A_310 : vector<16xf32>
      %mul3A_312 = arith.mulf %select_n3A_310, %select_n3A_310 : vector<16xf32>
      %add3A_313 = arith.addf %add3A_296, %mul3A_312 : vector<16xf32>
      %mul3A_314 = arith.constant 129 : i32
      %mul3A_315 = arith.muli %mul3A_314, %add3A_216 : i32
      %add3A_316 = arith.addi %select_n3A_22, %mul3A_315 : i32
      %get3A_317 = arith.index_cast %add3A_316 : i32 to index
      %get3A_318 = tpu.vector_load %arg4[%get3A_317] {strides = array<i32>} : memref<16448xf32, #tpu.memory_space<vmem>>, vector<16xf32>,
      %add3A_319 = vector.broadcast %add3A_216 : i32 to vector<16xi32>
      %add3A_320 = arith.addi %add3A_29, %add3A_319 : vector<16xi32>
      %lt3A_321 = arith.constant 128 : i32
      %lt3A_322 = vector.broadcast %lt3A_321 : i32 to vector<16xi32>
      %lt3A_323 = arith.cmpi slt, %add3A_320, %lt3A_322 : vector<16xi32>
      %jit3A_324 = arith.constant 0.000000e+00 : f32
      %broadcast_in_dim3A_325 = vector.broadcast %jit3A_324 : f32 to vector<16xf32>
      %select_n3A_326 = arith.select %lt3A_323, %get3A_318, %broadcast_in_dim3A_325 : vector<16xi1>, vector<16xf32>
      %add3A_327 = arith.addf %while3A_211, %select_n3A_326 : vector<16xf32>
      %mul3A_328 = arith.mulf %select_n3A_326, %select_n3A_326 : vector<16xf32>
      %add3A_329 = arith.addf %while3A_212, %mul3A_328 : vector<16xf32>
      %add3A_330 = arith.constant 129 : i32
      %add3A_331 = arith.addi %add3A_316, %add3A_330 : i32
      %add3A_332 = arith.constant 1 : i32
      %add3A_333 = arith.addi %add3A_216, %add3A_332 : i32
      %get3A_334 = arith.index_cast %add3A_331 : i32 to index
      %get3A_335 = tpu.vector_load %arg4[%get3A_334] {strides = array<i32>} : memref<16448xf32, #tpu.memory_space<vmem>>, vector<16xf32>,
      %add3A_336 = vector.broadcast %add3A_333 : i32 to vector<16xi32>
      %add3A_337 = arith.addi %add3A_29, %add3A_336 : vector<16xi32>
      %lt3A_338 = arith.constant 128 : i32
      %lt3A_339 = vector.broadcast %lt3A_338 : i32 to vector<16xi32>
      %lt3A_340 = arith.cmpi slt, %add3A_337, %lt3A_339 : vector<16xi32>
      %jit3A_341 = arith.constant 0.000000e+00 : f32
      %broadcast_in_dim3A_342 = vector.broadcast %jit3A_341 : f32 to vector<16xf32>
      %select_n3A_343 = arith.select %lt3A_340, %get3A_335, %broadcast_in_dim3A_342 : vector<16xi1>, vector<16xf32>
      %add3A_344 = arith.addf %add3A_327, %select_n3A_343 : vector<16xf32>
      %mul3A_345 = arith.mulf %select_n3A_343, %select_n3A_343 : vector<16xf32>
      %add3A_346 = arith.addf %add3A_329, %mul3A_345 : vector<16xf32>
      scf.yield %add3A_245, %add3A_247, %add3A_278, %add3A_280, %add3A_311, %add3A_313, %add3A_344, %add3A_346 : vector<16xf32>, vector<16xf32>, vector<16xf32>, vector<16xf32>, vector<16xf32>, vector<16xf32>, vector<16xf32>, vector<16xf32>
    }
    %while3A_49 = arith.constant 1 : i32
    %while3A_50:8 = scf.for %while3A_204 = %while3A_46 to %while3A_42 step %while3A_49 iter_args(%while3A_205 = %while3A_48#0, %while3A_206 = %while3A_48#1, %while3A_207 = %while3A_48#2, %while3A_208 = %while3A_48#3, %while3A_209 = %while3A_48#4, %while3A_210 = %while3A_48#5, %while3A_211 = %while3A_48#6, %while3A_212 = %while3A_48#7) -> (vector<16xf32>, vector<16xf32>, vector<16xf32>, vector<16xf32>, vector<16xf32>, vector<16xf32>, vector<16xf32>, vector<16xf32>)  : i32 {
      %mul3A_213 = arith.constant 2 : i32
      %mul3A_214 = arith.muli %while3A_204, %mul3A_213 : i32
      %add3A_215 = arith.constant 0 : i32
      %add3A_216 = arith.addi %add3A_215, %mul3A_214 : i32
      %mul3A_217 = arith.constant 129 : i32
      %mul3A_218 = arith.muli %mul3A_217, %add3A_216 : i32
      %add3A_219 = arith.addi %select_n3A, %mul3A_218 : i32
      %get3A = arith.index_cast %add3A_219 : i32 to index
      %get3A_220 = tpu.vector_load %arg4[%get3A] {strides = array<i32>} : memref<16448xf32, #tpu.memory_space<vmem>>, vector<16xf32>,
      %add3A_221 = vector.broadcast %add3A_216 : i32 to vector<16xi32>
      %add3A_222 = arith.addi %add3A_23, %add3A_221 : vector<16xi32>
      %lt3A = arith.constant 128 : i32
      %lt3A_223 = vector.broadcast %lt3A : i32 to vector<16xi32>
      %lt3A_224 = arith.cmpi slt, %add3A_222, %lt3A_223 : vector<16xi32>
      %jit3A_225 = arith.constant 0.000000e+00 : f32
      %broadcast_in_dim3A_226 = vector.broadcast %jit3A_225 : f32 to vector<16xf32>
      %select_n3A_227 = arith.select %lt3A_224, %get3A_220, %broadcast_in_dim3A_226 : vector<16xi1>, vector<16xf32>
      %add3A_228 = arith.addf %while3A_205, %select_n3A_227 : vector<16xf32>
      %mul3A_229 = arith.mulf %select_n3A_227, %select_n3A_227 : vector<16xf32>
      %add3A_230 = arith.addf %while3A_206, %mul3A_229 : vector<16xf32>
      %add3A_231 = arith.constant 129 : i32
      %add3A_232 = arith.addi %add3A_219, %add3A_231 : i32
      %add3A_233 = arith.constant 1 : i32
      %add3A_234 = arith.addi %add3A_216, %add3A_233 : i32
      %get3A_235 = arith.index_cast %add3A_232 : i32 to index
      %get3A_236 = tpu.vector_load %arg4[%get3A_235] {strides = array<i32>} : memref<16448xf32, #tpu.memory_space<vmem>>, vector<16xf32>,
      %add3A_237 = vector.broadcast %add3A_234 : i32 to vector<16xi32>
      %add3A_238 = arith.addi %add3A_23, %add3A_237 : vector<16xi32>
      %lt3A_239 = arith.constant 128 : i32
      %lt3A_240 = vector.broadcast %lt3A_239 : i32 to vector<16xi32>
      %lt3A_241 = arith.cmpi slt, %add3A_238, %lt3A_240 : vector<16xi32>
      %jit3A_242 = arith.constant 0.000000e+00 : f32
      %broadcast_in_dim3A_243 = vector.broadcast %jit3A_242 : f32 to vector<16xf32>
      %select_n3A_244 = arith.select %lt3A_241, %get3A_236, %broadcast_in_dim3A_243 : vector<16xi1>, vector<16xf32>
      %add3A_245 = arith.addf %add3A_228, %select_n3A_244 : vector<16xf32>
      %mul3A_246 = arith.mulf %select_n3A_244, %select_n3A_244 : vector<16xf32>
      %add3A_247 = arith.addf %add3A_230, %mul3A_246 : vector<16xf32>
      %mul3A_248 = arith.constant 129 : i32
      %mul3A_249 = arith.muli %mul3A_248, %add3A_216 : i32
      %add3A_250 = arith.addi %select_n3A_12, %mul3A_249 : i32
      %get3A_251 = arith.index_cast %add3A_250 : i32 to index
      %get3A_252 = tpu.vector_load %arg4[%get3A_251] {strides = array<i32>} : memref<16448xf32, #tpu.memory_space<vmem>>, vector<16xf32>,
      %add3A_253 = vector.broadcast %add3A_216 : i32 to vector<16xi32>
      %add3A_254 = arith.addi %add3A_25, %add3A_253 : vector<16xi32>
      %lt3A_255 = arith.constant 128 : i32
      %lt3A_256 = vector.broadcast %lt3A_255 : i32 to vector<16xi32>
      %lt3A_257 = arith.cmpi slt, %add3A_254, %lt3A_256 : vector<16xi32>
      %jit3A_258 = arith.constant 0.000000e+00 : f32
      %broadcast_in_dim3A_259 = vector.broadcast %jit3A_258 : f32 to vector<16xf32>
      %select_n3A_260 = arith.select %lt3A_257, %get3A_252, %broadcast_in_dim3A_259 : vector<16xi1>, vector<16xf32>
      %add3A_261 = arith.addf %while3A_207, %select_n3A_260 : vector<16xf32>
      %mul3A_262 = arith.mulf %select_n3A_260, %select_n3A_260 : vector<16xf32>
      %add3A_263 = arith.addf %while3A_208, %mul3A_262 : vector<16xf32>
      %add3A_264 = arith.constant 129 : i32
      %add3A_265 = arith.addi %add3A_250, %add3A_264 : i32
      %add3A_266 = arith.constant 1 : i32
      %add3A_267 = arith.addi %add3A_216, %add3A_266 : i32
      %get3A_268 = arith.index_cast %add3A_265 : i32 to index
      %get3A_269 = tpu.vector_load %arg4[%get3A_268] {strides = array<i32>} : memref<16448xf32, #tpu.memory_space<vmem>>, vector<16xf32>,
      %add3A_270 = vector.broadcast %add3A_267 : i32 to vector<16xi32>
      %add3A_271 = arith.addi %add3A_25, %add3A_270 : vector<16xi32>
      %lt3A_272 = arith.constant 128 : i32
      %lt3A_273 = vector.broadcast %lt3A_272 : i32 to vector<16xi32>
      %lt3A_274 = arith.cmpi slt, %add3A_271, %lt3A_273 : vector<16xi32>
      %jit3A_275 = arith.constant 0.000000e+00 : f32
      %broadcast_in_dim3A_276 = vector.broadcast %jit3A_275 : f32 to vector<16xf32>
      %select_n3A_277 = arith.select %lt3A_274, %get3A_269, %broadcast_in_dim3A_276 : vector<16xi1>, vector<16xf32>
      %add3A_278 = arith.addf %add3A_261, %select_n3A_277 : vector<16xf32>
      %mul3A_279 = arith.mulf %select_n3A_277, %select_n3A_277 : vector<16xf32>
      %add3A_280 = arith.addf %add3A_263, %mul3A_279 : vector<16xf32>
      %mul3A_281 = arith.constant 129 : i32
      %mul3A_282 = arith.muli %mul3A_281, %add3A_216 : i32
      %add3A_283 = arith.addi %select_n3A_17, %mul3A_282 : i32
      %get3A_284 = arith.index_cast %add3A_283 : i32 to index
      %get3A_285 = tpu.vector_load %arg4[%get3A_284] {strides = array<i32>} : memref<16448xf32, #tpu.memory_space<vmem>>, vector<16xf32>,
      %add3A_286 = vector.broadcast %add3A_216 : i32 to vector<16xi32>
      %add3A_287 = arith.addi %add3A_27, %add3A_286 : vector<16xi32>
      %lt3A_288 = arith.constant 128 : i32
      %lt3A_289 = vector.broadcast %lt3A_288 : i32 to vector<16xi32>
      %lt3A_290 = arith.cmpi slt, %add3A_287, %lt3A_289 : vector<16xi32>
      %jit3A_291 = arith.constant 0.000000e+00 : f32
      %broadcast_in_dim3A_292 = vector.broadcast %jit3A_291 : f32 to vector<16xf32>
      %select_n3A_293 = arith.select %lt3A_290, %get3A_285, %broadcast_in_dim3A_292 : vector<16xi1>, vector<16xf32>
      %add3A_294 = arith.addf %while3A_209, %select_n3A_293 : vector<16xf32>
      %mul3A_295 = arith.mulf %select_n3A_293, %select_n3A_293 : vector<16xf32>
      %add3A_296 = arith.addf %while3A_210, %mul3A_295 : vector<16xf32>
      %add3A_297 = arith.constant 129 : i32
      %add3A_298 = arith.addi %add3A_283, %add3A_297 : i32
      %add3A_299 = arith.constant 1 : i32
      %add3A_300 = arith.addi %add3A_216, %add3A_299 : i32
      %get3A_301 = arith.index_cast %add3A_298 : i32 to index
      %get3A_302 = tpu.vector_load %arg4[%get3A_301] {strides = array<i32>} : memref<16448xf32, #tpu.memory_space<vmem>>, vector<16xf32>,
      %add3A_303 = vector.broadcast %add3A_300 : i32 to vector<16xi32>
      %add3A_304 = arith.addi %add3A_27, %add3A_303 : vector<16xi32>
      %lt3A_305 = arith.constant 128 : i32
      %lt3A_306 = vector.broadcast %lt3A_305 : i32 to vector<16xi32>
      %lt3A_307 = arith.cmpi slt, %add3A_304, %lt3A_306 : vector<16xi32>
      %jit3A_308 = arith.constant 0.000000e+00 : f32
      %broadcast_in_dim3A_309 = vector.broadcast %jit3A_308 : f32 to vector<16xf32>
      %select_n3A_310 = arith.select %lt3A_307, %get3A_302, %broadcast_in_dim3A_309 : vector<16xi1>, vector<16xf32>
      %add3A_311 = arith.addf %add3A_294, %select_n3A_310 : vector<16xf32>
      %mul3A_312 = arith.mulf %select_n3A_310, %select_n3A_310 : vector<16xf32>
      %add3A_313 = arith.addf %add3A_296, %mul3A_312 : vector<16xf32>
      %mul3A_314 = arith.constant 129 : i32
      %mul3A_315 = arith.muli %mul3A_314, %add3A_216 : i32
      %add3A_316 = arith.addi %select_n3A_22, %mul3A_315 : i32
      %get3A_317 = arith.index_cast %add3A_316 : i32 to index
      %get3A_318 = tpu.vector_load %arg4[%get3A_317] {strides = array<i32>} : memref<16448xf32, #tpu.memory_space<vmem>>, vector<16xf32>,
      %add3A_319 = vector.broadcast %add3A_216 : i32 to vector<16xi32>
      %add3A_320 = arith.addi %add3A_29, %add3A_319 : vector<16xi32>
      %lt3A_321 = arith.constant 128 : i32
      %lt3A_322 = vector.broadcast %lt3A_321 : i32 to vector<16xi32>
      %lt3A_323 = arith.cmpi slt, %add3A_320, %lt3A_322 : vector<16xi32>
      %jit3A_324 = arith.constant 0.000000e+00 : f32
      %broadcast_in_dim3A_325 = vector.broadcast %jit3A_324 : f32 to vector<16xf32>
      %select_n3A_326 = arith.select %lt3A_323, %get3A_318, %broadcast_in_dim3A_325 : vector<16xi1>, vector<16xf32>
      %add3A_327 = arith.addf %while3A_211, %select_n3A_326 : vector<16xf32>
      %mul3A_328 = arith.mulf %select_n3A_326, %select_n3A_326 : vector<16xf32>
      %add3A_329 = arith.addf %while3A_212, %mul3A_328 : vector<16xf32>
      %add3A_330 = arith.constant 129 : i32
      %add3A_331 = arith.addi %add3A_316, %add3A_330 : i32
      %add3A_332 = arith.constant 1 : i32
      %add3A_333 = arith.addi %add3A_216, %add3A_332 : i32
      %get3A_334 = arith.index_cast %add3A_331 : i32 to index
      %get3A_335 = tpu.vector_load %arg4[%get3A_334] {strides = array<i32>} : memref<16448xf32, #tpu.memory_space<vmem>>, vector<16xf32>,
      %add3A_336 = vector.broadcast %add3A_333 : i32 to vector<16xi32>
      %add3A_337 = arith.addi %add3A_29, %add3A_336 : vector<16xi32>
      %lt3A_338 = arith.constant 128 : i32
      %lt3A_339 = vector.broadcast %lt3A_338 : i32 to vector<16xi32>
      %lt3A_340 = arith.cmpi slt, %add3A_337, %lt3A_339 : vector<16xi32>
      %jit3A_341 = arith.constant 0.000000e+00 : f32
      %broadcast_in_dim3A_342 = vector.broadcast %jit3A_341 : f32 to vector<16xf32>
      %select_n3A_343 = arith.select %lt3A_340, %get3A_335, %broadcast_in_dim3A_342 : vector<16xi1>, vector<16xf32>
      %add3A_344 = arith.addf %add3A_327, %select_n3A_343 : vector<16xf32>
      %mul3A_345 = arith.mulf %select_n3A_343, %select_n3A_343 : vector<16xf32>
      %add3A_346 = arith.addf %add3A_329, %mul3A_345 : vector<16xf32>
      scf.yield %add3A_245, %add3A_247, %add3A_278, %add3A_280, %add3A_311, %add3A_313, %add3A_344, %add3A_346 : vector<16xf32>, vector<16xf32>, vector<16xf32>, vector<16xf32>, vector<16xf32>, vector<16xf32>, vector<16xf32>, vector<16xf32>
    }
    %mul3A = arith.constant 2 : i32
    %mul3A_51 = arith.muli %select_n3A_34, %mul3A : i32
    %add3A_52 = arith.constant 0 : i32
    %add3A_53 = arith.addi %add3A_52, %mul3A_51 : i32
    %while3A_54 = arith.constant 0 : i32
    %while3A_55 = arith.subi %select_n3A_39, %while3A_54 : i32
    %while3A_56 = arith.addi %while3A_54, %while3A_55 : i32
    %while3A_57 = arith.constant 1 : i32
    %while3A_58 = arith.divsi %while3A_55, %while3A_57 : i32
    %while3A_59 = arith.muli %while3A_58, %while3A_57 : i32
    %while3A_60 = arith.addi %while3A_54, %while3A_59 : i32
    %while3A_61 = arith.constant 1 : i32
    %while3A_62:4 = scf.for %while3A_204 = %while3A_54 to %while3A_60 step %while3A_61 iter_args(%while3A_205 = %while3A_50#0, %while3A_206 = %while3A_50#1, %while3A_207 = %while3A_50#2, %while3A_208 = %while3A_50#3) -> (vector<16xf32>, vector<16xf32>, vector<16xf32>, vector<16xf32>)  : i32 {
      %mul3A_209 = arith.constant 2 : i32
      %mul3A_210 = arith.muli %while3A_204, %mul3A_209 : i32
      %add3A_211 = arith.addi %add3A_53, %mul3A_210 : i32
      %mul3A_212 = arith.constant 129 : i32
      %mul3A_213 = arith.muli %mul3A_212, %add3A_211 : i32
      %add3A_214 = arith.addi %select_n3A, %mul3A_213 : i32
      %get3A = arith.index_cast %add3A_214 : i32 to index
      %get3A_215 = tpu.vector_load %arg4[%get3A] {strides = array<i32>} : memref<16448xf32, #tpu.memory_space<vmem>>, vector<16xf32>,
      %add3A_216 = vector.broadcast %add3A_211 : i32 to vector<16xi32>
      %add3A_217 = arith.addi %add3A_23, %add3A_216 : vector<16xi32>
      %lt3A = arith.constant 128 : i32
      %lt3A_218 = vector.broadcast %lt3A : i32 to vector<16xi32>
      %lt3A_219 = arith.cmpi slt, %add3A_217, %lt3A_218 : vector<16xi32>
      %jit3A_220 = arith.constant 0.000000e+00 : f32
      %broadcast_in_dim3A_221 = vector.broadcast %jit3A_220 : f32 to vector<16xf32>
      %select_n3A_222 = arith.select %lt3A_219, %get3A_215, %broadcast_in_dim3A_221 : vector<16xi1>, vector<16xf32>
      %add3A_223 = arith.addf %while3A_205, %select_n3A_222 : vector<16xf32>
      %mul3A_224 = arith.mulf %select_n3A_222, %select_n3A_222 : vector<16xf32>
      %add3A_225 = arith.addf %while3A_206, %mul3A_224 : vector<16xf32>
      %add3A_226 = arith.constant 129 : i32
      %add3A_227 = arith.addi %add3A_214, %add3A_226 : i32
      %add3A_228 = arith.constant 1 : i32
      %add3A_229 = arith.addi %add3A_211, %add3A_228 : i32
      %get3A_230 = arith.index_cast %add3A_227 : i32 to index
      %get3A_231 = tpu.vector_load %arg4[%get3A_230] {strides = array<i32>} : memref<16448xf32, #tpu.memory_space<vmem>>, vector<16xf32>,
      %add3A_232 = vector.broadcast %add3A_229 : i32 to vector<16xi32>
      %add3A_233 = arith.addi %add3A_23, %add3A_232 : vector<16xi32>
      %lt3A_234 = arith.constant 128 : i32
      %lt3A_235 = vector.broadcast %lt3A_234 : i32 to vector<16xi32>
      %lt3A_236 = arith.cmpi slt, %add3A_233, %lt3A_235 : vector<16xi32>
      %jit3A_237 = arith.constant 0.000000e+00 : f32
      %broadcast_in_dim3A_238 = vector.broadcast %jit3A_237 : f32 to vector<16xf32>
      %select_n3A_239 = arith.select %lt3A_236, %get3A_231, %broadcast_in_dim3A_238 : vector<16xi1>, vector<16xf32>
      %add3A_240 = arith.addf %add3A_223, %select_n3A_239 : vector<16xf32>
      %mul3A_241 = arith.mulf %select_n3A_239, %select_n3A_239 : vector<16xf32>
      %add3A_242 = arith.addf %add3A_225, %mul3A_241 : vector<16xf32>
      %mul3A_243 = arith.constant 129 : i32
      %mul3A_244 = arith.muli %mul3A_243, %add3A_211 : i32
      %add3A_245 = arith.addi %select_n3A_12, %mul3A_244 : i32
      %get3A_246 = arith.index_cast %add3A_245 : i32 to index
      %get3A_247 = tpu.vector_load %arg4[%get3A_246] {strides = array<i32>} : memref<16448xf32, #tpu.memory_space<vmem>>, vector<16xf32>,
      %add3A_248 = vector.broadcast %add3A_211 : i32 to vector<16xi32>
      %add3A_249 = arith.addi %add3A_25, %add3A_248 : vector<16xi32>
      %lt3A_250 = arith.constant 128 : i32
      %lt3A_251 = vector.broadcast %lt3A_250 : i32 to vector<16xi32>
      %lt3A_252 = arith.cmpi slt, %add3A_249, %lt3A_251 : vector<16xi32>
      %jit3A_253 = arith.constant 0.000000e+00 : f32
      %broadcast_in_dim3A_254 = vector.broadcast %jit3A_253 : f32 to vector<16xf32>
      %select_n3A_255 = arith.select %lt3A_252, %get3A_247, %broadcast_in_dim3A_254 : vector<16xi1>, vector<16xf32>
      %add3A_256 = arith.addf %while3A_207, %select_n3A_255 : vector<16xf32>
      %mul3A_257 = arith.mulf %select_n3A_255, %select_n3A_255 : vector<16xf32>
      %add3A_258 = arith.addf %while3A_208, %mul3A_257 : vector<16xf32>
      %add3A_259 = arith.constant 129 : i32
      %add3A_260 = arith.addi %add3A_245, %add3A_259 : i32
      %add3A_261 = arith.constant 1 : i32
      %add3A_262 = arith.addi %add3A_211, %add3A_261 : i32
      %get3A_263 = arith.index_cast %add3A_260 : i32 to index
      %get3A_264 = tpu.vector_load %arg4[%get3A_263] {strides = array<i32>} : memref<16448xf32, #tpu.memory_space<vmem>>, vector<16xf32>,
      %add3A_265 = vector.broadcast %add3A_262 : i32 to vector<16xi32>
      %add3A_266 = arith.addi %add3A_25, %add3A_265 : vector<16xi32>
      %lt3A_267 = arith.constant 128 : i32
      %lt3A_268 = vector.broadcast %lt3A_267 : i32 to vector<16xi32>
      %lt3A_269 = arith.cmpi slt, %add3A_266, %lt3A_268 : vector<16xi32>
      %jit3A_270 = arith.constant 0.000000e+00 : f32
      %broadcast_in_dim3A_271 = vector.broadcast %jit3A_270 : f32 to vector<16xf32>
      %select_n3A_272 = arith.select %lt3A_269, %get3A_264, %broadcast_in_dim3A_271 : vector<16xi1>, vector<16xf32>
      %add3A_273 = arith.addf %add3A_256, %select_n3A_272 : vector<16xf32>
      %mul3A_274 = arith.mulf %select_n3A_272, %select_n3A_272 : vector<16xf32>
      %add3A_275 = arith.addf %add3A_258, %mul3A_274 : vector<16xf32>
      scf.yield %add3A_240, %add3A_242, %add3A_273, %add3A_275 : vector<16xf32>, vector<16xf32>, vector<16xf32>, vector<16xf32>
    }
    %while3A_63 = arith.constant 1 : i32
    %while3A_64:4 = scf.for %while3A_204 = %while3A_60 to %while3A_56 step %while3A_63 iter_args(%while3A_205 = %while3A_62#0, %while3A_206 = %while3A_62#1, %while3A_207 = %while3A_62#2, %while3A_208 = %while3A_62#3) -> (vector<16xf32>, vector<16xf32>, vector<16xf32>, vector<16xf32>)  : i32 {
      %mul3A_209 = arith.constant 2 : i32
      %mul3A_210 = arith.muli %while3A_204, %mul3A_209 : i32
      %add3A_211 = arith.addi %add3A_53, %mul3A_210 : i32
      %mul3A_212 = arith.constant 129 : i32
      %mul3A_213 = arith.muli %mul3A_212, %add3A_211 : i32
      %add3A_214 = arith.addi %select_n3A, %mul3A_213 : i32
      %get3A = arith.index_cast %add3A_214 : i32 to index
      %get3A_215 = tpu.vector_load %arg4[%get3A] {strides = array<i32>} : memref<16448xf32, #tpu.memory_space<vmem>>, vector<16xf32>,
      %add3A_216 = vector.broadcast %add3A_211 : i32 to vector<16xi32>
      %add3A_217 = arith.addi %add3A_23, %add3A_216 : vector<16xi32>
      %lt3A = arith.constant 128 : i32
      %lt3A_218 = vector.broadcast %lt3A : i32 to vector<16xi32>
      %lt3A_219 = arith.cmpi slt, %add3A_217, %lt3A_218 : vector<16xi32>
      %jit3A_220 = arith.constant 0.000000e+00 : f32
      %broadcast_in_dim3A_221 = vector.broadcast %jit3A_220 : f32 to vector<16xf32>
      %select_n3A_222 = arith.select %lt3A_219, %get3A_215, %broadcast_in_dim3A_221 : vector<16xi1>, vector<16xf32>
      %add3A_223 = arith.addf %while3A_205, %select_n3A_222 : vector<16xf32>
      %mul3A_224 = arith.mulf %select_n3A_222, %select_n3A_222 : vector<16xf32>
      %add3A_225 = arith.addf %while3A_206, %mul3A_224 : vector<16xf32>
      %add3A_226 = arith.constant 129 : i32
      %add3A_227 = arith.addi %add3A_214, %add3A_226 : i32
      %add3A_228 = arith.constant 1 : i32
      %add3A_229 = arith.addi %add3A_211, %add3A_228 : i32
      %get3A_230 = arith.index_cast %add3A_227 : i32 to index
      %get3A_231 = tpu.vector_load %arg4[%get3A_230] {strides = array<i32>} : memref<16448xf32, #tpu.memory_space<vmem>>, vector<16xf32>,
      %add3A_232 = vector.broadcast %add3A_229 : i32 to vector<16xi32>
      %add3A_233 = arith.addi %add3A_23, %add3A_232 : vector<16xi32>
      %lt3A_234 = arith.constant 128 : i32
      %lt3A_235 = vector.broadcast %lt3A_234 : i32 to vector<16xi32>
      %lt3A_236 = arith.cmpi slt, %add3A_233, %lt3A_235 : vector<16xi32>
      %jit3A_237 = arith.constant 0.000000e+00 : f32
      %broadcast_in_dim3A_238 = vector.broadcast %jit3A_237 : f32 to vector<16xf32>
      %select_n3A_239 = arith.select %lt3A_236, %get3A_231, %broadcast_in_dim3A_238 : vector<16xi1>, vector<16xf32>
      %add3A_240 = arith.addf %add3A_223, %select_n3A_239 : vector<16xf32>
      %mul3A_241 = arith.mulf %select_n3A_239, %select_n3A_239 : vector<16xf32>
      %add3A_242 = arith.addf %add3A_225, %mul3A_241 : vector<16xf32>
      %mul3A_243 = arith.constant 129 : i32
      %mul3A_244 = arith.muli %mul3A_243, %add3A_211 : i32
      %add3A_245 = arith.addi %select_n3A_12, %mul3A_244 : i32
      %get3A_246 = arith.index_cast %add3A_245 : i32 to index
      %get3A_247 = tpu.vector_load %arg4[%get3A_246] {strides = array<i32>} : memref<16448xf32, #tpu.memory_space<vmem>>, vector<16xf32>,
      %add3A_248 = vector.broadcast %add3A_211 : i32 to vector<16xi32>
      %add3A_249 = arith.addi %add3A_25, %add3A_248 : vector<16xi32>
      %lt3A_250 = arith.constant 128 : i32
      %lt3A_251 = vector.broadcast %lt3A_250 : i32 to vector<16xi32>
      %lt3A_252 = arith.cmpi slt, %add3A_249, %lt3A_251 : vector<16xi32>
      %jit3A_253 = arith.constant 0.000000e+00 : f32
      %broadcast_in_dim3A_254 = vector.broadcast %jit3A_253 : f32 to vector<16xf32>
      %select_n3A_255 = arith.select %lt3A_252, %get3A_247, %broadcast_in_dim3A_254 : vector<16xi1>, vector<16xf32>
      %add3A_256 = arith.addf %while3A_207, %select_n3A_255 : vector<16xf32>
      %mul3A_257 = arith.mulf %select_n3A_255, %select_n3A_255 : vector<16xf32>
      %add3A_258 = arith.addf %while3A_208, %mul3A_257 : vector<16xf32>
      %add3A_259 = arith.constant 129 : i32
      %add3A_260 = arith.addi %add3A_245, %add3A_259 : i32
      %add3A_261 = arith.constant 1 : i32
      %add3A_262 = arith.addi %add3A_211, %add3A_261 : i32
      %get3A_263 = arith.index_cast %add3A_260 : i32 to index
      %get3A_264 = tpu.vector_load %arg4[%get3A_263] {strides = array<i32>} : memref<16448xf32, #tpu.memory_space<vmem>>, vector<16xf32>,
      %add3A_265 = vector.broadcast %add3A_262 : i32 to vector<16xi32>
      %add3A_266 = arith.addi %add3A_25, %add3A_265 : vector<16xi32>
      %lt3A_267 = arith.constant 128 : i32
      %lt3A_268 = vector.broadcast %lt3A_267 : i32 to vector<16xi32>
      %lt3A_269 = arith.cmpi slt, %add3A_266, %lt3A_268 : vector<16xi32>
      %jit3A_270 = arith.constant 0.000000e+00 : f32
      %broadcast_in_dim3A_271 = vector.broadcast %jit3A_270 : f32 to vector<16xf32>
      %select_n3A_272 = arith.select %lt3A_269, %get3A_264, %broadcast_in_dim3A_271 : vector<16xi1>, vector<16xf32>
      %add3A_273 = arith.addf %add3A_256, %select_n3A_272 : vector<16xf32>
      %mul3A_274 = arith.mulf %select_n3A_272, %select_n3A_272 : vector<16xf32>
      %add3A_275 = arith.addf %add3A_258, %mul3A_274 : vector<16xf32>
      scf.yield %add3A_240, %add3A_242, %add3A_273, %add3A_275 : vector<16xf32>, vector<16xf32>, vector<16xf32>, vector<16xf32>
    }
    %mul3A_65 = arith.constant 2 : i32
    %mul3A_66 = arith.muli %select_n3A_39, %mul3A_65 : i32
    %add3A_67 = arith.addi %add3A_53, %mul3A_66 : i32
    %scan3A = arith.constant 0 : i32
    %scan3A_68 = arith.constant 8 : i32
    %scan3A_69 = arith.addi %scan3A, %scan3A_68 : i32
    %scan3A_70 = arith.constant 1 : i32
    %scan3A_71:2 = scf.for %scan3A_204 = %scan3A to %scan3A_69 step %scan3A_70 iter_args(%scan3A_205 = %while3A_64#0, %scan3A_206 = %while3A_64#1) -> (vector<16xf32>, vector<16xf32>)  : i32 {
      %mul3A_207 = arith.constant 2 : i32
      %mul3A_208 = arith.muli %scan3A_204, %mul3A_207 : i32
      %add3A_209 = arith.addi %add3A_67, %mul3A_208 : i32
      %mul3A_210 = arith.constant 129 : i32
      %mul3A_211 = arith.muli %mul3A_210, %add3A_209 : i32
      %add3A_212 = arith.addi %select_n3A, %mul3A_211 : i32
      %get3A = arith.index_cast %add3A_212 : i32 to index
      %get3A_213 = tpu.vector_load %arg4[%get3A] {strides = array<i32>} : memref<16448xf32, #tpu.memory_space<vmem>>, vector<16xf32>,
      %add3A_214 = vector.broadcast %add3A_209 : i32 to vector<16xi32>
      %add3A_215 = arith.addi %add3A_23, %add3A_214 : vector<16xi32>
      %lt3A = arith.constant 128 : i32
      %lt3A_216 = vector.broadcast %lt3A : i32 to vector<16xi32>
      %lt3A_217 = arith.cmpi slt, %add3A_215, %lt3A_216 : vector<16xi32>
      %jit3A_218 = arith.constant 0.000000e+00 : f32
      %broadcast_in_dim3A_219 = vector.broadcast %jit3A_218 : f32 to vector<16xf32>
      %select_n3A_220 = arith.select %lt3A_217, %get3A_213, %broadcast_in_dim3A_219 : vector<16xi1>, vector<16xf32>
      %add3A_221 = arith.addf %scan3A_205, %select_n3A_220 : vector<16xf32>
      %mul3A_222 = arith.mulf %select_n3A_220, %select_n3A_220 : vector<16xf32>
      %add3A_223 = arith.addf %scan3A_206, %mul3A_222 : vector<16xf32>
      %add3A_224 = arith.constant 129 : i32
      %add3A_225 = arith.addi %add3A_212, %add3A_224 : i32
      %add3A_226 = arith.constant 1 : i32
      %add3A_227 = arith.addi %add3A_209, %add3A_226 : i32
      %get3A_228 = arith.index_cast %add3A_225 : i32 to index
      %get3A_229 = tpu.vector_load %arg4[%get3A_228] {strides = array<i32>} : memref<16448xf32, #tpu.memory_space<vmem>>, vector<16xf32>,
      %add3A_230 = vector.broadcast %add3A_227 : i32 to vector<16xi32>
      %add3A_231 = arith.addi %add3A_23, %add3A_230 : vector<16xi32>
      %lt3A_232 = arith.constant 128 : i32
      %lt3A_233 = vector.broadcast %lt3A_232 : i32 to vector<16xi32>
      %lt3A_234 = arith.cmpi slt, %add3A_231, %lt3A_233 : vector<16xi32>
      %jit3A_235 = arith.constant 0.000000e+00 : f32
      %broadcast_in_dim3A_236 = vector.broadcast %jit3A_235 : f32 to vector<16xf32>
      %select_n3A_237 = arith.select %lt3A_234, %get3A_229, %broadcast_in_dim3A_236 : vector<16xi1>, vector<16xf32>
      %add3A_238 = arith.addf %add3A_221, %select_n3A_237 : vector<16xf32>
      %mul3A_239 = arith.mulf %select_n3A_237, %select_n3A_237 : vector<16xf32>
      %add3A_240 = arith.addf %add3A_223, %mul3A_239 : vector<16xf32>
      scf.yield %add3A_238, %add3A_240 : vector<16xf32>, vector<16xf32>
    }
    %scan3A_72 = arith.constant 8 : i32
    %add3A_73 = arith.constant 16 : i32
    %add3A_74 = arith.addi %add3A_67, %add3A_73 : i32
    %sub3A = arith.constant 128 : i32
    %sub3A_75 = vector.broadcast %sub3A : i32 to vector<16xi32>
    %sub3A_76 = arith.subi %sub3A_75, %add3A_23 : vector<16xi32>
    %convert_element_type3A = arith.sitofp %sub3A_76 : vector<16xi32> to vector<16xf32>
    %sub3A_77 = arith.constant 128 : i32
    %sub3A_78 = vector.broadcast %sub3A_77 : i32 to vector<16xi32>
    %sub3A_79 = arith.subi %sub3A_78, %add3A_25 : vector<16xi32>
    %convert_element_type3A_80 = arith.sitofp %sub3A_79 : vector<16xi32> to vector<16xf32>
    %sub3A_81 = arith.constant 128 : i32
    %sub3A_82 = vector.broadcast %sub3A_81 : i32 to vector<16xi32>
    %sub3A_83 = arith.subi %sub3A_82, %add3A_27 : vector<16xi32>
    %convert_element_type3A_84 = arith.sitofp %sub3A_83 : vector<16xi32> to vector<16xf32>
    %sub3A_85 = arith.constant 128 : i32
    %sub3A_86 = vector.broadcast %sub3A_85 : i32 to vector<16xi32>
    %sub3A_87 = arith.subi %sub3A_86, %add3A_29 : vector<16xi32>
    %convert_element_type3A_88 = arith.sitofp %sub3A_87 : vector<16xi32> to vector<16xf32>
    %mul3A_89 = arith.mulf %scan3A_71#0, %scan3A_71#0 : vector<16xf32>
    %div3A = arith.divf %mul3A_89, %convert_element_type3A : vector<16xf32>
    %sub3A_90 = arith.subf %scan3A_71#1, %div3A : vector<16xf32>
    %sub3A_91 = arith.constant 1.000000e+00 : f32
    %sub3A_92 = vector.broadcast %sub3A_91 : f32 to vector<16xf32>
    %sub3A_93 = arith.subf %convert_element_type3A, %sub3A_92 : vector<16xf32>
    %div3A_94 = arith.divf %sub3A_90, %sub3A_93 : vector<16xf32>
    %max3A = arith.constant 0.000000e+00 : f32
    %max3A_95 = vector.broadcast %max3A : f32 to vector<16xf32>
    %max3A_96 = arith.maximumf %div3A_94, %max3A_95 : vector<16xf32>
    %mul3A_97 = arith.mulf %while3A_64#2, %while3A_64#2 : vector<16xf32>
    %div3A_98 = arith.divf %mul3A_97, %convert_element_type3A_80 : vector<16xf32>
    %sub3A_99 = arith.subf %while3A_64#3, %div3A_98 : vector<16xf32>
    %sub3A_100 = arith.constant 1.000000e+00 : f32
    %sub3A_101 = vector.broadcast %sub3A_100 : f32 to vector<16xf32>
    %sub3A_102 = arith.subf %convert_element_type3A_80, %sub3A_101 : vector<16xf32>
    %div3A_103 = arith.divf %sub3A_99, %sub3A_102 : vector<16xf32>
    %max3A_104 = arith.constant 0.000000e+00 : f32
    %max3A_105 = vector.broadcast %max3A_104 : f32 to vector<16xf32>
    %max3A_106 = arith.maximumf %div3A_103, %max3A_105 : vector<16xf32>
    %mul3A_107 = arith.mulf %while3A_50#4, %while3A_50#4 : vector<16xf32>
    %div3A_108 = arith.divf %mul3A_107, %convert_element_type3A_84 : vector<16xf32>
    %sub3A_109 = arith.subf %while3A_50#5, %div3A_108 : vector<16xf32>
    %sub3A_110 = arith.constant 1.000000e+00 : f32
    %sub3A_111 = vector.broadcast %sub3A_110 : f32 to vector<16xf32>
    %sub3A_112 = arith.subf %convert_element_type3A_84, %sub3A_111 : vector<16xf32>
    %div3A_113 = arith.divf %sub3A_109, %sub3A_112 : vector<16xf32>
    %max3A_114 = arith.constant 0.000000e+00 : f32
    %max3A_115 = vector.broadcast %max3A_114 : f32 to vector<16xf32>
    %max3A_116 = arith.maximumf %div3A_113, %max3A_115 : vector<16xf32>
    %mul3A_117 = arith.mulf %while3A_50#6, %while3A_50#6 : vector<16xf32>
    %div3A_118 = arith.divf %mul3A_117, %convert_element_type3A_88 : vector<16xf32>
    %sub3A_119 = arith.subf %while3A_50#7, %div3A_118 : vector<16xf32>
    %sub3A_120 = arith.constant 1.000000e+00 : f32
    %sub3A_121 = vector.broadcast %sub3A_120 : f32 to vector<16xf32>
    %sub3A_122 = arith.subf %convert_element_type3A_88, %sub3A_121 : vector<16xf32>
    %div3A_123 = arith.divf %sub3A_119, %sub3A_122 : vector<16xf32>
    %max3A_124 = arith.constant 0.000000e+00 : f32
    %max3A_125 = vector.broadcast %max3A_124 : f32 to vector<16xf32>
    %max3A_126 = arith.maximumf %div3A_123, %max3A_125 : vector<16xf32>
    %add3A_127 = arith.constant 1.000000e+00 : f32
    %add3A_128 = vector.broadcast %add3A_127 : f32 to vector<16xf32>
    %add3A_129 = arith.addf %max3A_96, %add3A_128 : vector<16xf32>
    %mul3A_130 = arith.constant 5.000000e-01 : f32
    %mul3A_131 = vector.broadcast %mul3A_130 : f32 to vector<16xf32>
    %mul3A_132 = arith.mulf %add3A_129, %mul3A_131 : vector<16xf32>
    %add3A_133 = arith.constant 1.000000e+00 : f32
    %add3A_134 = vector.broadcast %add3A_133 : f32 to vector<16xf32>
    %add3A_135 = arith.addf %max3A_106, %add3A_134 : vector<16xf32>
    %mul3A_136 = arith.constant 5.000000e-01 : f32
    %mul3A_137 = vector.broadcast %mul3A_136 : f32 to vector<16xf32>
    %mul3A_138 = arith.mulf %add3A_135, %mul3A_137 : vector<16xf32>
    %add3A_139 = arith.constant 1.000000e+00 : f32
    %add3A_140 = vector.broadcast %add3A_139 : f32 to vector<16xf32>
    %add3A_141 = arith.addf %max3A_116, %add3A_140 : vector<16xf32>
    %mul3A_142 = arith.constant 5.000000e-01 : f32
    %mul3A_143 = vector.broadcast %mul3A_142 : f32 to vector<16xf32>
    %mul3A_144 = arith.mulf %add3A_141, %mul3A_143 : vector<16xf32>
    %add3A_145 = arith.constant 1.000000e+00 : f32
    %add3A_146 = vector.broadcast %add3A_145 : f32 to vector<16xf32>
    %add3A_147 = arith.addf %max3A_126, %add3A_146 : vector<16xf32>
    %mul3A_148 = arith.constant 5.000000e-01 : f32
    %mul3A_149 = vector.broadcast %mul3A_148 : f32 to vector<16xf32>
    %mul3A_150 = arith.mulf %add3A_147, %mul3A_149 : vector<16xf32>
    %scan3A_151 = arith.constant 0 : i32
    %scan3A_152 = arith.constant 12 : i32
    %scan3A_153 = arith.addi %scan3A_151, %scan3A_152 : i32
    %scan3A_154 = arith.constant 1 : i32
    %scan3A_155:4 = scf.for %scan3A_204 = %scan3A_151 to %scan3A_153 step %scan3A_154 iter_args(%scan3A_205 = %mul3A_132, %scan3A_206 = %mul3A_138, %scan3A_207 = %mul3A_144, %scan3A_208 = %mul3A_150) -> (vector<16xf32>, vector<16xf32>, vector<16xf32>, vector<16xf32>)  : i32 {
      %div3A_209 = arith.divf %max3A_96, %scan3A_205 : vector<16xf32>
      %add3A_210 = arith.addf %scan3A_205, %div3A_209 : vector<16xf32>
      %mul3A_211 = arith.constant 5.000000e-01 : f32
      %mul3A_212 = vector.broadcast %mul3A_211 : f32 to vector<16xf32>
      %mul3A_213 = arith.mulf %mul3A_212, %add3A_210 : vector<16xf32>
      %div3A_214 = arith.divf %max3A_106, %scan3A_206 : vector<16xf32>
      %add3A_215 = arith.addf %scan3A_206, %div3A_214 : vector<16xf32>
      %mul3A_216 = arith.constant 5.000000e-01 : f32
      %mul3A_217 = vector.broadcast %mul3A_216 : f32 to vector<16xf32>
      %mul3A_218 = arith.mulf %mul3A_217, %add3A_215 : vector<16xf32>
      %div3A_219 = arith.divf %max3A_116, %scan3A_207 : vector<16xf32>
      %add3A_220 = arith.addf %scan3A_207, %div3A_219 : vector<16xf32>
      %mul3A_221 = arith.constant 5.000000e-01 : f32
      %mul3A_222 = vector.broadcast %mul3A_221 : f32 to vector<16xf32>
      %mul3A_223 = arith.mulf %mul3A_222, %add3A_220 : vector<16xf32>
      %div3A_224 = arith.divf %max3A_126, %scan3A_208 : vector<16xf32>
      %add3A_225 = arith.addf %scan3A_208, %div3A_224 : vector<16xf32>
      %mul3A_226 = arith.constant 5.000000e-01 : f32
      %mul3A_227 = vector.broadcast %mul3A_226 : f32 to vector<16xf32>
      %mul3A_228 = arith.mulf %mul3A_227, %add3A_225 : vector<16xf32>
      scf.yield %mul3A_213, %mul3A_218, %mul3A_223, %mul3A_228 : vector<16xf32>, vector<16xf32>, vector<16xf32>, vector<16xf32>
    }
    %scan3A_156 = arith.constant 12 : i32
    %le3A = arith.constant 126 : i32
    %le3A_157 = vector.broadcast %le3A : i32 to vector<16xi32>
    %le3A_158 = arith.cmpi sle, %add3A_23, %le3A_157 : vector<16xi32>
    %mul3A_159 = arith.mulf %scan3A_155#0, %convert_element_type3A : vector<16xf32>
    %mul3A_160 = arith.constant 2.000000e-01 : f32
    %mul3A_161 = vector.broadcast %mul3A_160 : f32 to vector<16xf32>
    %mul3A_162 = arith.mulf %mul3A_159, %mul3A_161 : vector<16xf32>
    %jit3A_163 = arith.constant 0.000000e+00 : f32
    %broadcast_in_dim3A_164 = vector.broadcast %jit3A_163 : f32 to vector<16xf32>
    %select_n3A_165 = arith.select %le3A_158, %mul3A_162, %broadcast_in_dim3A_164 : vector<16xi1>, vector<16xf32>
    %add3A_166 = arith.addf %broadcast_in_dim3A_40, %select_n3A_165 : vector<16xf32>
    %le3A_167 = arith.constant 126 : i32
    %le3A_168 = vector.broadcast %le3A_167 : i32 to vector<16xi32>
    %le3A_169 = arith.cmpi sle, %add3A_25, %le3A_168 : vector<16xi32>
    %mul3A_170 = arith.mulf %scan3A_155#1, %convert_element_type3A_80 : vector<16xf32>
    %mul3A_171 = arith.constant 2.000000e-01 : f32
    %mul3A_172 = vector.broadcast %mul3A_171 : f32 to vector<16xf32>
    %mul3A_173 = arith.mulf %mul3A_170, %mul3A_172 : vector<16xf32>
    %jit3A_174 = arith.constant 0.000000e+00 : f32
    %broadcast_in_dim3A_175 = vector.broadcast %jit3A_174 : f32 to vector<16xf32>
    %select_n3A_176 = arith.select %le3A_169, %mul3A_173, %broadcast_in_dim3A_175 : vector<16xi1>, vector<16xf32>
    %add3A_177 = arith.addf %add3A_166, %select_n3A_176 : vector<16xf32>
    %le3A_178 = arith.constant 126 : i32
    %le3A_179 = vector.broadcast %le3A_178 : i32 to vector<16xi32>
    %le3A_180 = arith.cmpi sle, %add3A_27, %le3A_179 : vector<16xi32>
    %mul3A_181 = arith.mulf %scan3A_155#2, %convert_element_type3A_84 : vector<16xf32>
    %mul3A_182 = arith.constant 2.000000e-01 : f32
    %mul3A_183 = vector.broadcast %mul3A_182 : f32 to vector<16xf32>
    %mul3A_184 = arith.mulf %mul3A_181, %mul3A_183 : vector<16xf32>
    %jit3A_185 = arith.constant 0.000000e+00 : f32
    %broadcast_in_dim3A_186 = vector.broadcast %jit3A_185 : f32 to vector<16xf32>
    %select_n3A_187 = arith.select %le3A_180, %mul3A_184, %broadcast_in_dim3A_186 : vector<16xi1>, vector<16xf32>
    %add3A_188 = arith.addf %add3A_177, %select_n3A_187 : vector<16xf32>
    %le3A_189 = arith.constant 126 : i32
    %le3A_190 = vector.broadcast %le3A_189 : i32 to vector<16xi32>
    %le3A_191 = arith.cmpi sle, %add3A_29, %le3A_190 : vector<16xi32>
    %mul3A_192 = arith.mulf %scan3A_155#3, %convert_element_type3A_88 : vector<16xf32>
    %mul3A_193 = arith.constant 2.000000e-01 : f32
    %mul3A_194 = vector.broadcast %mul3A_193 : f32 to vector<16xf32>
    %mul3A_195 = arith.mulf %mul3A_192, %mul3A_194 : vector<16xf32>
    %jit3A_196 = arith.constant 0.000000e+00 : f32
    %broadcast_in_dim3A_197 = vector.broadcast %jit3A_196 : f32 to vector<16xf32>
    %select_n3A_198 = arith.select %le3A_191, %mul3A_195, %broadcast_in_dim3A_197 : vector<16xi1>, vector<16xf32>
    %add3A_199 = arith.addf %add3A_188, %select_n3A_198 : vector<16xf32>
    %mul3A_200 = arith.constant 9.92063549E-4 : f32
    %mul3A_201 = vector.broadcast %mul3A_200 : f32 to vector<16xf32>
    %mul3A_202 = arith.mulf %add3A_199, %mul3A_201 : vector<16xf32>
    %swap3A = arith.constant 0 : index
    %swap3A_203 = tpu.vector_load %arg5[%swap3A] {strides = array<i32>} : memref<16xf32, #tpu.memory_space<vmem>>, vector<16xf32>,
    tpu.vector_store %arg5[%swap3A], %mul3A_202 {strides = array<i32>} : memref<16xf32, #tpu.memory_space<vmem>>, vector<16xf32>,
    "tpu.region"() ({
      %run_scoped3A = tpu.sem_alloc : memref<!tpu.dma_semaphore, #tpu.memory_space<semaphore_mem>>
      %dma_start3A = arith.constant 0 : i32
      %dma_start3A_204 = tpu.memref_slice %arg3[%arg1, %dma_start3A] : memref<16x16xf32, #tpu.memory_space<hbm>> -> memref<1x16xf32, #tpu.memory_space<hbm>>
      %dma_start3A_205 = tpu.memref_squeeze %dma_start3A_204 : memref<1x16xf32, #tpu.memory_space<hbm>> -> memref<16xf32, #tpu.memory_space<hbm>>
      %dma_start3A_206 = arith.constant 0 : i32
      %dma_start3A_207 = tpu.memref_slice %arg3[%arg1, %dma_start3A_206] : memref<16x16xf32, #tpu.memory_space<hbm>> -> memref<1x16xf32, #tpu.memory_space<hbm>>
      %dma_start3A_208 = tpu.memref_squeeze %dma_start3A_207 : memref<1x16xf32, #tpu.memory_space<hbm>> -> memref<16xf32, #tpu.memory_space<hbm>>
      tpu.enqueue_dma source(%arg5 : memref<16xf32, #tpu.memory_space<vmem>>) target(%dma_start3A_208 : memref<16xf32, #tpu.memory_space<hbm>>) target_semaphore(%run_scoped3A : memref<!tpu.dma_semaphore, #tpu.memory_space<semaphore_mem>>)
      %dma_wait3A = arith.constant 0 : i32
      %dma_wait3A_209 = tpu.memref_slice %arg3[%arg1, %dma_wait3A] : memref<16x16xf32, #tpu.memory_space<hbm>> -> memref<1x16xf32, #tpu.memory_space<hbm>>
      %dma_wait3A_210 = tpu.memref_squeeze %dma_wait3A_209 : memref<1x16xf32, #tpu.memory_space<hbm>> -> memref<16xf32, #tpu.memory_space<hbm>>
      %dma_wait3A_211 = arith.constant 0 : i32
      %dma_wait3A_212 = tpu.memref_slice %arg3[%arg1, %dma_wait3A_211] : memref<16x16xf32, #tpu.memory_space<hbm>> -> memref<1x16xf32, #tpu.memory_space<hbm>>
      %dma_wait3A_213 = tpu.memref_squeeze %dma_wait3A_212 : memref<1x16xf32, #tpu.memory_space<hbm>> -> memref<16xf32, #tpu.memory_space<hbm>>
      tpu.wait_dma2 semaphore(%run_scoped3A : memref<!tpu.dma_semaphore, #tpu.memory_space<semaphore_mem>>) src(%arg5 : memref<16xf32, #tpu.memory_space<vmem>>) dst(%dma_wait3A_213 : memref<16xf32, #tpu.memory_space<hbm>>)
      tpu.yield
    }) : () -> ()
    return
  }
}

</mosaic_0001>

<sc_bundles>
// kernel: kernel.3.cloned.1.call-start
scs
__scs_entry_jumppad:
0x0: {  	(pc) =	sbr.rel $0x88, $3  }
0x1: {  	(tag) =	ssettag $0x0;
	lr =	simm.s32 $0x1  }
0x2: {  	[smem:$0x3FA0] =	sst lr;
	_ =	strace $0xD0000000  }
0x3: {  	_ = 	snop  }
0x4: {  	_ = 	snop  }
0x5: {  	_ = 	snop  }
0x6: {  	_ = 	snop  }
0x7: {  	_ = 	snop  }
__scs_overlays_trampoline_lowered:
0x8: {  	[smem:$0x3FAF] =	sst s0  }
0x9: {  	[smem:$0x3FB0] =	sst s1  }
0xa: {  	[smem:$0x3FB1] =	sst s2  }
0xb: {  	[smem:$0x3FB2] =	sst s3  }
0xc: {  	[smem:$0x3FB3] =	sst s4  }
0xd: {  	[smem:$0x3FB4] =	sst s5  }
0xe: {  	[smem:$0x3FB5] =	sst s6  }
0xf: {  	[smem:$0x3FB6] =	sst s7  }
0x10: {  	[smem:$0x3FB7] =	sst s8  }
0x11: {  	[smem:$0x3FB8] =	sst s9;
	s0 =	simm.s32 @!p0 $0x0  }
0x12: {  	s1 =	sld [smem:$0x3F9E];
	s0 =	simm.s32 @p0 $0x1  }
0x13: {  	[smem:$0x3FB9] =	sst s0;
	s0 =	simm.s32 @!p1 $0x0  }
0x14: {  	s2 =	sld [smem:$0x3F9D];
	s0 =	simm.s32 @p1 $0x1  }
0x15: {  	[smem:$0x3FBA] =	sst s0;
	s0 =	simm.s32 @!p2 $0x0  }
0x16: {  	s3 =	sld [smem:$0x3FDB];
	s0 =	simm.s32 @p2 $0x1  }
0x17: {  	s4 =	simm.s32 $0x1BF5;
	[smem:$0x3FBC] =	sst s0  }
0x18: {  	s0 =	sld [smem:$0x3F9F];
	_ =	swait.ge [sflag:s4], $0x0  }
0x19: {  	s7 =	sld [smem:$0x3FA0]  }
0x1a: {  	s8 =	sadd.s32 $0xFFFFE003, lr  }
0x1b: {  	s9 =	sadd.s32 $0xFFFFFEF7, lr;
	s5 =	simm.s32 $0xFFFFFFFF;
	p2 =	slt.u32 s8, $0xFFFFF086  }
0x1c: {  	p1 =	slt.u32 s9, $0xF7A;
	s5 =	simm.s32 @!p2 $0x0  }
0x1d: {  	s5 =	simm.s32 @p1 $0x1;
	p0 =	seq.s32 s7, s2  }
0x1e: {  	s7 =	smul.u32 @!p0 $0xF7A, s2;
	p2 =	seq.s32 @!p0 s5, $0x0  }
0x1f: {  	s9 =	smul.u32 $0xF7A, s1;
	s8 =	simm.s32 @!p0 $0x1BF5;
	p2 =	por !p2, p0  }
0x20: {  	[sflag:s8] =	ssyncset.s32 @!p0 $0xFFFFF086;
	s6 =	sadd.s32 @!p0 s3, s7;
	s7 =	simm.s32 @!p0 $0x108  }
0x21: {  	s3 =	sadd.s32 s3, s9;
	s6 =	sadd.s32 @!p0 $0x88, s6;
	s7 =	simm.s32 @p2 $0x1082  }
0x22: {  	[simem:s7], [sflag:s8] =	dma.local @!p0 [hbm:s6], $0xF7A  }
0x23: {  	s9 =	sor.u32 $0xD0000000, s2;
	s6 =	simm.s32 $0x108;
	_ =	swait.ge @!p0 [sflag:s8], $0x0  }
0x24: {  	s3 =	sadd.s32 $0x88, s3;
	s6 =	simm.s32 @!p1 $0x1082;
	[sflag:s4] =	ssyncset.s32 $0xFFFFF086  }
0x25: {  	[simem:s6], [sflag:s4] =	dma.local [hbm:s3], $0xF7A  }
0x26: {  	[smem:$0x3FA0] =	sst s1;
	(tag) =	ssettag s2;
	_ =	strace s9  }
0x27: {  	s1 =	sld [smem:$0x3FB0]  }
0x28: {  	s2 =	sld [smem:$0x3FB1]  }
0x29: {  	s4 =	sld [smem:$0x3FB3]  }
0x2a: {  	p0 =	seq.s32 s5, $0x0;
	s5 =	sld [smem:$0x3FB4]  }
0x2b: {  	s6 =	sld [smem:$0x3FB5]  }
0x2c: {  	s7 =	sld [smem:$0x3FB6]  }
0x2d: {  	s3 =	simm.s32 $0x108;
	s8 =	sld [smem:$0x3FB7]  }
0x2e: {  	s3 =	simm.s32 @!p0 $0x1082;
	s9 =	sld [smem:$0x3FB8]  }
0x2f: {  	lr =	sadd.s32 s0, s3;
	s0 =	sld [smem:$0x3FAF]  }
0x30: {  	s3 =	sld [smem:$0x3FB2]  }
0x31: {  	[smem:$0x3FBB] =	sst s10  }
0x32: {  	s10 =	sld [smem:$0x3FB9];
	_ =	sdelay $0x3  }
0x33: {  	p0 =	seq.s32 s10, $0x1;
	s10 =	sld [smem:$0x3FBB];
	_ =	sdelay $0x3  }
0x34: {  	[smem:$0x3FBB] =	sst s10  }
0x35: {  	s10 =	sld [smem:$0x3FBA];
	_ =	sdelay $0x3  }
0x36: {  	p1 =	seq.s32 s10, $0x1;
	s10 =	sld [smem:$0x3FBB];
	_ =	sdelay $0x3  }
0x37: {  	[smem:$0x3FBB] =	sst s10  }
0x38: {  	s10 =	sld [smem:$0x3FBC]  }
0x39: {  	_ = 	snop;
	(pc) =	sbr.ind lr, $3  }
0x3a: {  	_ = 	snop  }
0x3b: {  	_ = 	snop  }
0x3c: {  	p2 =	seq.s32 s10, $0x1;
	s10 =	sld [smem:$0x3FBB]  }
0x3d: {  	_ =	shalt  }
0x3e: {  	_ =	shalt  }
0x3f: {  	_ =	shalt  }
0x40: {  	_ =	shalt  }
0x41: {  	_ =	shalt  }
0x42: {  	_ =	shalt  }
0x43: {  	_ =	shalt  }
0x44: {  	_ =	shalt  }
0x45: {  	_ =	shalt  }
0x46: {  	_ =	shalt  }
0x47: {  	_ =	shalt  }
0x48: {  	_ =	shalt  }
0x49: {  	_ =	shalt  }
0x4a: {  	_ =	shalt  }
0x4b: {  	_ =	shalt  }
0x4c: {  	_ =	shalt  }
0x4d: {  	_ =	shalt  }
0x4e: {  	_ =	shalt  }
0x4f: {  	_ =	shalt  }
0x50: {  	_ =	shalt  }
0x51: {  	_ =	shalt  }
0x52: {  	_ =	shalt  }
0x53: {  	_ =	shalt  }
0x54: {  	_ =	shalt  }
0x55: {  	_ =	shalt  }
0x56: {  	_ =	shalt  }
0x57: {  	_ =	shalt  }
0x58: {  	_ =	shalt  }
0x59: {  	_ =	shalt  }
0x5a: {  	_ =	shalt  }
0x5b: {  	_ =	shalt  }
0x5c: {  	_ =	shalt  }
0x5d: {  	_ =	shalt  }
0x5e: {  	_ =	shalt  }
0x5f: {  	_ =	shalt  }
0x60: {  	_ =	shalt  }
0x61: {  	_ =	shalt  }
0x62: {  	_ =	shalt  }
0x63: {  	_ =	shalt  }
0x64: {  	_ =	shalt  }
0x65: {  	_ =	shalt  }
0x66: {  	_ =	shalt  }
0x67: {  	_ =	shalt  }
0x68: {  	_ =	shalt  }
0x69: {  	_ =	shalt  }
0x6a: {  	_ =	shalt  }
0x6b: {  	_ =	shalt  }
0x6c: {  	_ =	shalt  }
0x6d: {  	_ =	shalt  }
0x6e: {  	_ =	shalt  }
0x6f: {  	_ =	shalt  }
0x70: {  	_ =	shalt  }
0x71: {  	_ =	shalt  }
0x72: {  	_ =	shalt  }
0x73: {  	_ =	shalt  }
0x74: {  	_ =	shalt  }
0x75: {  	_ =	shalt  }
0x76: {  	_ =	shalt  }
0x77: {  	_ =	shalt  }
0x78: {  	_ =	shalt  }
0x79: {  	_ =	shalt  }
0x7a: {  	_ =	shalt  }
0x7b: {  	_ =	shalt  }
0x7c: {  	_ =	shalt  }
0x7d: {  	_ =	shalt  }
0x7e: {  	_ =	shalt  }
0x7f: {  	_ =	shalt  }
0x80: {  	_ =	shalt  }
0x81: {  	_ =	shalt  }
0x82: {  	_ =	shalt  }
0x83: {  	_ =	shalt  }
0x84: {  	_ =	shalt  }
0x85: {  	_ =	shalt  }
0x86: {  	_ =	shalt  }
0x87: {  	_ =	shalt  }
.Lfunc_end0:
.L_simem_size_0:
called_computation_lowered:
.L_overlay_start_0:
0x88: {  	s0 =	sld [smem:$0x3FD9]  }
0x89: {  	s1 =	sld [smem:$0x3FFE];
	_ =	sdelay $0x3  }
0x8a: {  	s0 =	sadd.s32 s1, s0  }
0x8b: {  	[smem:$0x3FC7] =	sst s0  }
0x8c: {  	_ = 	snop  }
0x8d: {  	(tm) =	ssettm $0x1  }
0x8e: {  	s15 =	sld [smem:$0x3FFB];
	_ =	sdelay $0x3  }
0x8f: {  	_ =	strace s15  }
0x90: {  	s0 =	sld [smem:$0x3FFC];
	_ =	sdelay $0x3  }
0x91: {  	_ =	strace s0  }
0x92: {  	s0 =	sld [smem:$0x3FFD];
	_ =	sdelay $0x3  }
0x93: {  	_ =	strace s0  }
0x94: {  	_ =	strace $0x8FFFFFFF  }
0x95: {  	s16 =	sld [smem:$0x3FDB];
	_ =	sdelay $0x1  }
0x96: {  	s17 =	simm.s32 $_scs_section_size  }
0x97: {  	s2 =	simm.s32 $_size__tile_overlayer_lowered;
	s3 =	simm.s32 $_tile_overlayer_lowered  }
0x98: {  	s20 =	simm.s32 $0x1BFF;
	s19 =	sshll.u32 s3, $0x1;
	s0 =	sadd.s32 s17, s16  }
0x99: {  	s4 =	simm.s32 $0x0;
	s18 =	sshll.u32 s2, $0x1;
	s2 =	sadd.s32 s19, s0  }
0x9a: {  	[timem:s4], [sflag:s20] =	dma.local [hbm:s2], s18  }
0x9b: {  	_ =	swait.ge [sflag:s20], s18  }
0x9c: {  	s1 =	ssub.s32 $0x0, s18;
	[sflag:s20] =	ssyncset.done $0x0  }
0x9d: {  	[sflag:s20] =	ssyncadd.s32 s1;
	_ =	sdelay $0x1  }
0x9e: {  	s21 =	simm.s32 $0x1B8B  }
0x9f: {  	_ =	swait.ge [sflag:s21], $0x1  }
0xa0: {  	[sflag:s21] =	ssyncset.done $0x0  }
0xa1: {  	s23 =	simm.s32 $0x1B8E;
	s22 =	sld [smem:$0x3FFE];
	[sflag:s21] =	ssyncadd.s32 $0xFFFFFFFF  }
0xa2: {  	s24 =	simm.s32 $execute0_lowered;
	[smem:$0x3FD2] =	sst s23  }
0xa3: {  	s2 =	sshll.u32 s24, $0x1;
	_ =	strace $0x80000046;
	[dreg:$0x1] =	wrdreg $0xFFFFFFFF  }
0xa4: {  	s25 =	simm.s32 $_size_execute0_lowered;
	s0 =	sadd.s32 s0, s2;
	[dreg:$0x0] =	wrdreg $0x0  }
0xa5: {  	s2 =	sshll.u32 s25, $0x1;
	[dreg:$0x2] =	wrdreg s0  }
0xa6: {  	[dreg:$0x3] =	wrdreg s2  }
0xa7: {  	[dreg:$0x4] =	wrdreg $0xC0  }
0xa8: {  	_ =	task [dreg:s4], $0x5FFFF  }
0xa9: {  	[dreg:$0x1] =	wrdreg $0xFFFFFFFF  }
0xaa: {  	[dreg:$0x0] =	wrdreg $0x60  }
0xab: {  	[dreg:$0x2] =	wrdreg s22  }
0xac: {  	[dreg:$0x3] =	wrdreg $0x9  }
0xad: {  	_ =	task.clear_ibuf [dreg:s4], $0x4FFFF;
	_ =	strace $0x90000046  }
0xae: {  	s26 =	simm.s32 $0x9;
	_ =	strace $0x80000048  }
0xaf: {  	_ =	swait.ge [sflag:s26], $0x1  }
0xb0: {  	[sflag:s26] =	ssyncadd.s32 $0xFFFFFFFF  }
0xb1: {  	_ =	strace $0x90000048  }
0xb2: {  	_ =	sfence  }
0xb3: {  	s28 =	sld [smem:$0x0];
	_ =	sdelay $0x1  }
0xb4: {  	s29 =	srdreg.scid  }
0xb5: {  	s30 =	sshll.u32 s29, $0xD;
	s31 =	sshrl.u32 s29, $0x2  }
0xb6: {  	s1 =	sand.u32 $0x1, s29;
	s2 =	sand.u32 $0x4000, s30;
	s0 =	sadd.s32 s31, s28  }
0xb7: {  	s1 =	sor.u32 s2, s1;
	s0 =	sshll.u32 s0, $0x11  }
0xb8: {  	s0 =	sor.u32 s0, s1  }
0xb9: {  	s0 =	sadd.s32 $0x8F2B, s0  }
0xba: {  	[sflag:s0] =	ssyncadd.remote.s32 $0x1  }
0xbb: {  	_ =	sfence.sel $0xFFFF  }
0xbc: {  	[dreg:$0x0] =	wrdreg $0xFFFFFFFF;
	(pc) =	sbr.abs _section_cstart, $3  }
0xbd: {  	[dreg:$0x1] =	wrdreg $0xFFFFFFFF  }
0xbe: {  	_ =	task.clear_ibuf [dreg:s4], $0x2FFFF;
	_ =	strace $0x9FFFFFFF  }
0xbf: {  	(tm) =	ssettm $0x7FFFFFFF  }
tec
execute0_lowered:
.L_overlay_start_1:
0x0: {  	(tag) =	ssettag $0x1  }
0x1: {  	s2 =	rddreg [dreg:$0x0];
	s1 =	stileid.u32  }
0x2: {  	s0 =	rddreg [dreg:$0x1];
	s4 =	simm.s32 $0x0;
	s5 =	sshll.u32 s1, $0x3  }
0x3: {  	[smem:$0x7FF] =	sst s4;
	s3 =	sand.u32 $0x1, s1;
	s5 =	sand.u32 $0x70, s5  }
0x4: {  	_ =	strace $0x80000047;
	p0 =	seq.s32 s3, $0x0;
	s5 =	sadd.s32 s2, s5  }
0x5: {  	s6 =	simm.s32 @p0 $0x80;
	s7 =	simm.s32 @p0 $0x400;
	s8 =	simm.s32 @p0 $0x0  }
0x6: {  	[tilespmem:s8], [sflag:$0x1] =	stream.strided.gather @p0 [hbm4b:s5+s6], $0x3F80, s7, s6, $0x38;
	[tilespmem:$0x4100] =	vst v63  }
0x7: {  	s9 =	simm.s32 @!p0 $0x31;
	s6 =	simm.s32 @p0 $0x1  }
0x8: {  	s10 =	simm.s32 @!p0 $0x41;
	s11 =	simm.s32 @!p0 $0x51;
	_ =	swait.ge @p0 [sflag:s6], $0x3F80  }
0x9: {  	s7 =	simm.s32 @!p0 $0x400;
	s8 =	simm.s32 @!p0 $0x0;
	[sflag:s6] =	ssyncset.done @p0 $0x0  }
0xa: {  	s9 =	simm.s32 @p0 $0x11;
	[sflag:s6] =	ssyncadd.s32 @p0 $0xFFFFC080;
	s6 =	simm.s32 @!p0 $0x80  }
0xb: {  	[tilespmem:s8], [sflag:$0x1] =	stream.strided.gather @!p0 [hbm4b:s5+s6], $0x2F80, s7, s6, $0x38;
	[tilespmem:$0x4100] =	vst v63  }
0xc: {  	s11 =	simm.s32 @p0 $0x71;
	s10 =	simm.s32 @p0 $0x61;
	s5 =	simm.s32 @!p0 $0x1  }
0xd: {  	s28 =	sshll.u32 s10, $0x2;
	s12 =	sshll.u32 s11, $0x2;
	_ =	swait.ge @!p0 [sflag:s5], $0x2F80  }
0xe: {  	s13 =	sadd.s32 $0x204, s28;
	s12 =	sadd.s32 $0x204, s12;
	[sflag:s5] =	ssyncset.done @!p0 $0x0  }
0xf: {  	v0 =	vlaneseq.u32;
	s6 =	sshll.u32 s9, $0x2;
	s8 =	sshrl.u32 s13, $0x2;
	[sflag:s5] =	ssyncadd.s32 @!p0 $0xFFFFD080  }
0x10: {  	v5 =	vmov s9;
	v2 =	vadd.s32 s9, v0;
	s9 =	sshrl.u32 s12, $0x2;
	s29 =	sadd.s32 $0x204, s6;
	v11 =	vld [tilespmem:s8+$0x0]  }
0x11: {  	s7 =	sshrl.u32 s29, $0x2;
	v13 =	vld [tilespmem:s9+$0x0]  }
0x12: {  	v8 =	vimm.f32 $0.0e+00;
	v4 =	vmov s10;
	v1 =	vadd.s32 s10, v0;
	v17 =	vld [tilespmem:s7+$0xFFFFFF7F]  }
0x13: {  	s30 =	simm.s32 $0x1;
	v3 =	vmov s11;
	v15 =	vadd.s32 s4, v2;
	v18 =	vadd.s32 s4, v1;
	s5 =	simm.s32 @!p0 $0x21;
	v21 =	vld [tilespmem:s8+$0xFFFFFF7F]  }
0x14: {  	v20 =	vadd.s32 s30, v2;
	v22 =	vadd.s32 s30, v1;
	vm1 =	vlt.s32 v15, $0x80;
	s5 =	simm.s32 @p0 $0x1;
	v15 =	vld [tilespmem:s9+$0xFFFFFF7F]  }
0x15: {  	vm2 =	vlt.s32 v18, $0x80;
	vm4 =	vlt.s32 v20, $0x80;
	vm15 =	vlt.s32 v22, $0x80;
	v9 =	vld [tilespmem:s5+$0x81]  }
0x16: {  	v6 =	vmov s5;
	v7 =	vadd.s32 s5, v0;
	v0 =	vadd.s32 s11, v0;
	v14 =	vld [tilespmem:s5+$0x0]  }
0x17: {  	v10 =	vld [tilespmem:s7+$0x0];
	v12 =	vadd.s32 s4, v7;
	v16 =	vadd.s32 s30, v7;
	v19 =	vadd.s32 s4, v0  }
0x18: {  	s11 =	simm.s32 @!p0 $0x20;
	v23 =	vadd.s32 s30, v0;
	vm0 =	vlt.s32 v12, $0x80;
	vm3 =	vlt.s32 v16, $0x80  }
0x19: {  	s11 =	simm.s32 @p0 $0x10;
	vm5 =	vlt.s32 v19, $0x80;
	vm6 =	vlt.s32 v23, $0x80;
	v12 =	vnsel vm15, $0x0, v11  }
0x1a: {  	p1 =	seq.s32 s3, $0x1;
	s3 =	simm.s32 $0x50;
	s4 =	sshll.u32 s11, $0x1;
	v17 =	vnsel vm1, $0x0, v17;
	v11 =	vnsel vm6, $0x0, v13;
	v19 =	vnsel vm2, $0x0, v21  }
0x1b: {  	s3 =	simm.s32 @!p1 $0x70;
	p1 =	sne.s32 s4, $0x2;
	v18 =	vnsel vm5, $0x0, v15;
	v9 =	vnsel vm3, $0x0, v9;
	v16 =	vnsel vm0, $0x0, v14  }
.Ltmp0:
0x1c: {  	v14 =	vnsel vm4, $0x0, v10;
	v13 =	vmul.f32 v17, v17;
	v10 =	vmul.f32 v16, v16;
	(pc) =	sbr.rel @!p1 .LBB2_2-.Ltmp0, $4  }
0x1d: {  	s31 =	sshll.u32 s1, $0x4;
	v15 =	vadd.f32 v17, v8;
	v17 =	vimm.f32 $0.0e+00;
	v16 =	vadd.f32 v16, v8  }
0x1e: {  	s2 =	sadd.s32 s31, s2;
	v23 =	vmul.f32 v9, v9;
	v22 =	vmul.f32 v14, v14;
	v21 =	vadd.f32 v10, v8  }
0x1f: {  	s2 =	sadd.s32 $0x4000, s2;
	s10 =	simm.s32 @!p0 $0x8;
	v20 =	vadd.f32 v13, v8;
	v13 =	vimm.f32 $0.0e+00;
	v10 =	vadd.f32 v9, v16  }
0x20: {  	s10 =	simm.s32 @p0 $0x28;
	s12 =	simm.s32 $0x2;
	s13 =	sadd.s32 $0x102, s5;
	v16 =	vimm.f32 $0.0e+00;
	v9 =	vadd.f32 v23, v21;
	v21 =	vmul.f32 v19, v19  }
.LBB2_1:
0x21: {  	v23 =	vld [tilespmem:s13+$0x81];
	v15 =	vadd.f32 v14, v15;
	v20 =	vadd.f32 v22, v20;
	v14 =	vmul.f32 v18, v18;
	s7 =	sadd.s32 $0x102, s7  }
0x22: {  	v8 =	vadd.f32 v19, v8;
	v19 =	vmul.f32 v12, v12;
	s8 =	sadd.s32 $0x102, s8;
	v22 =	vld [tilespmem:s7+$0x0];
	v17 =	vadd.f32 v21, v17  }
0x23: {  	v13 =	vadd.f32 v18, v13;
	s9 =	sadd.s32 $0x102, s9;
	v21 =	vld [tilespmem:s8+$0x0];
	v14 =	vadd.f32 v14, v16;
	v16 =	vmul.f32 v11, v11  }
0x24: {  	v18 =	vadd.s32 s12, v7;
	v8 =	vadd.f32 v12, v8;
	v24 =	vld [tilespmem:s9+$0x0];
	v17 =	vadd.f32 v19, v17  }
0x25: {  	s14 =	sadd.s32 $0x1, s12;
	v13 =	vadd.f32 v11, v13;
	v19 =	vadd.s32 s12, v2;
	v12 =	vld [tilespmem:s13+$0x0];
	v16 =	vadd.f32 v16, v14  }
0x26: {  	v26 =	vadd.s32 s12, v0;
	v11 =	vadd.s32 s14, v7;
	v14 =	vadd.s32 s12, v1;
	v25 =	vld [tilespmem:s7+$0xFFFFFF7F]  }
0x27: {  	v27 =	vadd.s32 s14, v2;
	v29 =	vadd.s32 s14, v1;
	v30 =	vadd.s32 s14, v0;
	v28 =	vld [tilespmem:s8+$0xFFFFFF7F]  }
0x28: {  	vm0 =	vlt.s32 v18, $0x80;
	vm1 =	vlt.s32 v19, $0x80;
	vm2 =	vlt.s32 v14, $0x80;
	v18 =	vld [tilespmem:s9+$0xFFFFFF7F]  }
0x29: {  	vm5 =	vlt.s32 v26, $0x80;
	vm4 =	vlt.s32 v27, $0x80;
	vm3 =	vlt.s32 v11, $0x80  }
0x2a: {  	vm6 =	vlt.s32 v30, $0x80;
	s12 =	sadd.s32 $0x2, s12;
	v23 =	vnsel vm3, $0x0, v23;
	vm3 =	vlt.s32 v29, $0x80  }
0x2b: {  	p0 =	sne.s32 s4, s12;
	v14 =	vnsel vm4, $0x0, v22;
	v26 =	vnsel vm0, $0x0, v12;
	v12 =	vnsel vm3, $0x0, v21  }
.Ltmp1:
0x2c: {  	v11 =	vnsel vm6, $0x0, v24;
	v21 =	vmul.f32 v26, v26;
	v22 =	vnsel vm1, $0x0, v25;
	(pc) =	sbr.rel @p0 .LBB2_1-.Ltmp1, $4  }
0x2d: {  	v24 =	vmul.f32 v22, v22;
	v19 =	vnsel vm2, $0x0, v28;
	v18 =	vnsel vm5, $0x0, v18  }
0x2e: {  	v10 =	vadd.f32 v26, v10;
	v9 =	vadd.f32 v21, v9;
	v21 =	vmul.f32 v23, v23  }
0x2f: {  	v15 =	vadd.f32 v22, v15;
	v22 =	vmul.f32 v14, v14;
	v20 =	vadd.f32 v24, v20  }
0x30: {  	s13 =	sadd.s32 $0x102, s13;
	v10 =	vadd.f32 v23, v10;
	v9 =	vadd.f32 v21, v9;
	v21 =	vmul.f32 v19, v19  }
.LBB2_2:
0x31: {  	s7 =	smul.u32 $0x408, s11  }
0x32: {  	s5 =	sshll.u32 s5, $0x2  }
0x33: {  	p1 =	sne.s32 s10, $0x1;
	s8 =	sadd.s32 s5, s7  }
.Ltmp2:
0x34: {  	v15 =	vadd.f32 v14, v15;
	v14 =	vadd.f32 v22, v20;
	v20 =	vmul.f32 v18, v18;
	s8 =	sadd.s32 $0x204, s8;
	(pc) =	sbr.rel @!p1 .LBB2_3-.Ltmp2, $4  }
0x35: {  	v8 =	vadd.f32 v19, v8;
	v63 =	vmul.f32 v12, v12;
	v13 =	vadd.f32 v18, v13;
	s6 =	sadd.s32 s6, s7;
	s7 =	sshrl.u32 s8, $0x2  }
0x36: {  	v17 =	vadd.f32 v21, v17;
	v18 =	vadd.f32 v20, v16;
	v20 =	vmul.f32 v11, v11;
	s6 =	sadd.s32 $0x204, s6;
	v19 =	vld [tilespmem:s7+$0x0]  }
0x37: {  	v12 =	vadd.f32 v12, v8;
	v13 =	vadd.f32 v11, v13;
	s6 =	sshrl.u32 s6, $0x2;
	v16 =	vld [tilespmem:s7+$0xFFFFFF7F]  }
0x38: {  	p0 =	por $0x0, $0x0;
	v8 =	vadd.f32 v63, v17;
	v11 =	vadd.f32 v20, v18;
	s8 =	sadd.s32 $0xFFFFFFFF, s10;
	v17 =	vld [tilespmem:s6+$0xFFFFFF7F]  }
0x39: {  	_ = 	snop  }
0x3a: {  	v21 =	vld [tilespmem:s6+$0x0];
	v18 =	vadd.s32 s4, v7;
	s9 =	sadd.s32 $0x1, s4;
	v20 =	vadd.s32 s4, v2  }
0x3b: {  	p1 =	sne.s32 s8, $0x1;
	vm0 =	vlt.s32 v18, $0x80;
	v18 =	vadd.s32 s9, v7;
	v22 =	vadd.s32 s9, v2  }
.Ltmp3:
0x3c: {  	vm1 =	vlt.s32 v20, $0x80;
	vm14 =	vlt.s32 v18, $0x80;
	v23 =	vnsel vm0, $0x0, v16;
	(pc) =	sbr.rel @!p1 .LBB2_5-.Ltmp3, $4  }
0x3d: {  	s7 =	sadd.s32 $0x102, s7;
	vm15 =	vlt.s32 v22, $0x80;
	v24 =	vmul.f32 v23, v23;
	v25 =	vnsel vm1, $0x0, v17  }
0x3e: {  	v18 =	vld [tilespmem:s7+$0x0];
	v20 =	vnsel vm14, $0x0, v19;
	v22 =	vadd.f32 v23, v10;
	v19 =	vmul.f32 v25, v25  }
0x3f: {  	s6 =	sadd.s32 $0x102, s6;
	v16 =	vld [tilespmem:s7+$0xFFFFFF7F];
	v21 =	vnsel vm15, $0x0, v21;
	v23 =	vadd.f32 v24, v9;
	v24 =	vmul.f32 v20, v20  }
0x40: {  	s8 =	sadd.s32 $0xFFFFFFFF, s8;
	s4 =	sadd.s32 $0x2, s4;
	p0 =	por $0x1, $0x1;
	v17 =	vld [tilespmem:s6+$0xFFFFFF7F];
	v25 =	vadd.f32 v25, v15;
	v27 =	vmul.f32 v21, v21;
	v26 =	vadd.f32 v19, v14  }
.LBB2_6:
0x41: {  	p1 =	sne.s32 s8, $0x1;
	v19 =	vadd.s32 s4, v7;
	v28 =	vld [tilespmem:s6+$0x0];
	v22 =	vadd.f32 v20, v22;
	v23 =	vadd.f32 v24, v23  }
0x42: {  	s9 =	sadd.s32 $0x1, s4;
	v20 =	vadd.s32 s4, v2;
	v25 =	vadd.f32 v21, v25;
	v26 =	vadd.f32 v27, v26  }
0x43: {  	vm0 =	vlt.s32 v19, $0x80;
	v19 =	vadd.s32 s9, v7;
	v21 =	vadd.s32 s9, v2  }
.Ltmp4:
0x44: {  	vm1 =	vlt.s32 v20, $0x80;
	v24 =	vnsel vm0, $0x0, v16;
	vm0 =	vlt.s32 v19, $0x80;
	(pc) =	sbr.rel @p1 .LBB2_6-.Ltmp4, $4  }
0x45: {  	s7 =	sadd.s32 $0x102, s7;
	v19 =	vmul.f32 v24, v24;
	v27 =	vnsel vm1, $0x0, v17;
	vm1 =	vlt.s32 v21, $0x80  }
0x46: {  	v20 =	vnsel vm0, $0x0, v18;
	v18 =	vld [tilespmem:s7+$0x0];
	v29 =	vmul.f32 v27, v27;
	v21 =	vnsel vm1, $0x0, v28  }
0x47: {  	s6 =	sadd.s32 $0x102, s6;
	v22 =	vadd.f32 v24, v22;
	v24 =	vmul.f32 v20, v20;
	v16 =	vld [tilespmem:s7+$0xFFFFFF7F];
	v23 =	vadd.f32 v19, v23  }
0x48: {  	s8 =	sadd.s32 $0xFFFFFFFF, s8;
	s4 =	sadd.s32 $0x2, s4;
	v25 =	vadd.f32 v27, v25;
	v27 =	vmul.f32 v21, v21;
	v17 =	vld [tilespmem:s6+$0xFFFFFF7F];
	v26 =	vadd.f32 v29, v26  }
0x49: {  	_ =	sdelay $0x1  }
0x4a: {  	v19 =	vmov v18  }
.LBB2_8:
0x4b: {  	v18 =	vadd.s32 s4, v7;
	v20 =	vadd.f32 @p0 v20, v22  }
0x4c: {  	v22 =	vadd.f32 @p0 v24, v23;
	v62 =	vadd.s32 s4, v2;
	s28 =	sadd.s32 $0x1, s4;
	v21 =	vadd.f32 @p0 v21, v25  }
0x4d: {  	v24 =	vadd.f32 @p0 v27, v26;
	vm0 =	vlt.s32 v18, $0x80;
	v7 =	vadd.s32 s28, v7  }
0x4e: {  	v18 =	vadd.s32 s28, v2;
	vm1 =	vlt.s32 v62, $0x80;
	v16 =	vnsel vm0, $0x0, v16  }
0x4f: {  	v28 =	vld [tilespmem:s6+$0x0];
	s29 =	smul.u32 $0x204, s3;
	vm13 =	vlt.s32 v7, $0x80;
	v17 =	vnsel vm1, $0x0, v17;
	vm14 =	vlt.s32 v18, $0x80  }
0x50: {  	v10 =	vpsel p0, v20, v10;
	v9 =	vpsel p0, v22, v9;
	v7 =	vmul.f32 v16, v16  }
0x51: {  	s4 =	sadd.s32 s5, s29;
	v14 =	vpsel p0, v24, v14;
	v18 =	vnsel vm13, $0x0, v19;
	v19 =	vmul.f32 v17, v17  }
0x52: {  	v10 =	vadd.f32 v16, v10;
	v16 =	vlaneseq.u32;
	s5 =	sshrl.u32 s4, $0x2;
	v7 =	vadd.f32 v7, v9  }
0x53: {  	v20 =	vld [tilespmem:s5+$0x0];
	v9 =	vpsel p0, v21, v15;
	v15 =	vmul.u32 $0xFFFFFFFF, v16;
	v16 =	vmul.f32 v18, v18  }
0x54: {  	v63 =	vnsel vm14, $0x0, v28;
	v9 =	vadd.f32 v17, v9;
	v17 =	vadd.f32 v19, v14  }
0x55: {  	s30 =	sadd.s32 $0x0, s3;
	v14 =	vadd.s32 $0x80, v15;
	v15 =	vadd.f32 v18, v10;
	v10 =	vadd.f32 v16, v7;
	v16 =	vld [tilespmem:s5+$0x81]  }
0x56: {  	s31 =	sadd.s32 $0x1, s30;
	v19 =	vmul.f32 v63, v63;
	v14 =	vsub.s32 v14, v6;
	v6 =	vmov s30  }
0x57: {  	v18 =	vmov s31;
	vm15 =	vlt.u32 v6, v14  }
0x58: {  	s4 =	simm.s32 $0x2;
	s5 =	sadd.s32 $0x102, s5;
	v9 =	vadd.f32 v63, v9;
	v7 =	vadd.f32 v19, v17;
	v17 =	vnsel vm15, $0x0, v20  }
.LBB2_9:
0x59: {  	v6 =	vld [tilespmem:s5+$0x0];
	p0 =	sne.s32 s4, $0xE;
	v19 =	vmul.f32 v17, v17;
	vm0 =	vlt.u32 v18, v14;
	s6 =	smov.u32 s4;
	s4 =	sadd.s32 $0x2, s4  }
.Ltmp5:
0x5a: {  	v18 =	vnsel vm0, $0x0, v16;
	(pc) =	sbr.rel @p0 .LBB2_9-.Ltmp5, $4  }
0x5b: {  	v15 =	vadd.f32 v17, v15;
	s6 =	sadd.s32 s6, s3;
	v16 =	vld [tilespmem:s5+$0x81];
	v10 =	vadd.f32 v19, v10;
	v17 =	vmul.f32 v18, v18  }
0x5c: {  	v19 =	vmov s6  }
0x5d: {  	s6 =	sadd.s32 $0x1, s6;
	v15 =	vadd.f32 v18, v15;
	vm0 =	vlt.u32 v19, v14;
	v10 =	vadd.f32 v17, v10  }
0x5e: {  	s5 =	sadd.s32 $0x102, s5;
	v18 =	vmov s6;
	v17 =	vnsel vm0, $0x0, v6  }
0x5f: {  	v6 =	vlaneseq.u32  }
0x60: {  	v19 =	vmul.u32 $0xFFFFFFFF, v6;
	_ =	sdelay $0x1  }
0x61: {  	v6 =	vcvt.s32.f32 v14;
	v19 =	vadd.s32 $0x80, v19  }
0x62: {  	v5 =	vsub.s32 v19, v5  }
0x63: {  	v20 =	vadd.f32 $-1.000000000e+00, v6;
	v5 =	vcvt.s32.f32 v5  }
0x64: {  	(erf) = vrcp.f32 v6;
	v4 =	vsub.s32 v19, v4  }
0x65: {  	v4 =	vcvt.s32.f32 v4;
	(erf) = vrcp.f32 v20;
	v54 =	vadd.f32 $-1.000000000e+00, v5  }
0x66: {  	(erf) = vrcp.f32 v5  }
0x67: {  	v3 =	vsub.s32 v19, v3;
	v55 =	vadd.f32 $-1.000000000e+00, v4;
	(erf) = vrcp.f32 v54  }
0x68: {  	v3 =	vcvt.s32.f32 v3;
	(erf) = vrcp.f32 v4  }
0x69: {  	(erf) = vrcp.f32 v55  }
0x6a: {  	(erf) = vrcp.f32 v3;
	_ =	sdelay $0x1  }
0x6b: {  	v56 =	vadd.f32 $-1.000000000e+00, v3  }
0x6c: {  	v57 =	vpop (erf)  }
0x6d: {  	v21 =	vpop (erf);
	(erf) = vrcp.f32 v56  }
0x6e: {  	v58 =	vpop (erf)  }
0x6f: {  	v22 =	vpop (erf)  }
0x70: {  	vm0 =	vlt.u32 v18, v14;
	v12 =	vmul.f32 v12, v12;
	v14 =	vadd.f32 v17, v15;
	v15 =	vpop (erf)  }
0x71: {  	v13 =	vmul.f32 v13, v13;
	v16 =	vnsel vm0, $0x0, v16;
	v59 =	vpop (erf)  }
0x72: {  	v60 =	vmul.f32 v17, v17;
	v14 =	vadd.f32 v16, v14;
	v12 =	vmul.f32 v12, v15;
	v15 =	vpop (erf)  }
0x73: {  	v9 =	vmul.f32 v9, v9;
	v13 =	vmul.f32 v13, v15  }
0x74: {  	v10 =	vadd.f32 v60, v10;
	v14 =	vmul.f32 v14, v14;
	v15 =	vmul.f32 v16, v16  }
0x75: {  	v9 =	vmul.f32 v9, v58;
	v11 =	vsub.f32 v11, v13  }
0x76: {  	v8 =	vsub.f32 v8, v12;
	v10 =	vadd.f32 v15, v10;
	v13 =	vmul.f32 v14, v57;
	v12 =	vpop (erf)  }
0x77: {  	v7 =	vsub.f32 v7, v9;
	v9 =	vmul.f32 v11, v12  }
0x78: {  	v8 =	vmul.f32 v8, v59;
	v10 =	vsub.f32 v10, v13  }
0x79: {  	v11 =	vmul.f32 v7, v22;
	v7 =	vmax.f32 v9, $0.0e+00  }
0x7a: {  	v8 =	vmax.f32 v8, $0.0e+00;
	v10 =	vmul.f32 v10, v21;
	v12 =	vadd.f32 $1.000000000e+00, v7  }
0x7b: {  	v9 =	vmax.f32 v11, $0.0e+00;
	v11 =	vadd.f32 $1.000000000e+00, v8  }
0x7c: {  	v13 =	vadd.f32 $1.000000000e+00, v9;
	v10 =	vmax.f32 v10, $0.0e+00;
	v12 =	vmul.f32 $5.000000000e-01, v12  }
0x7d: {  	v11 =	vmul.f32 $5.000000000e-01, v11;
	v14 =	vadd.f32 $1.000000000e+00, v10  }
0x7e: {  	v13 =	vmul.f32 $5.000000000e-01, v13;
	(erf) = vrcp.f32 v12  }
0x7f: {  	v14 =	vmul.f32 $5.000000000e-01, v14;
	(erf) = vrcp.f32 v11  }
0x80: {  	(erf) = vrcp.f32 v13  }
0x81: {  	(erf) = vrcp.f32 v14;
	_ =	sdelay $0x5  }
0x82: {  	v15 =	vpop (erf)  }
0x83: {  	v61 =	vpop (erf);
	v15 =	vmul.f32 v15, v7  }
0x84: {  	v16 =	vmul.f32 v61, v8;
	v62 =	vpop (erf)  }
0x85: {  	v17 =	vmul.f32 v62, v9;
	v63 =	vpop (erf);
	v12 =	vadd.f32 v15, v12  }
0x86: {  	v15 =	vmul.f32 v63, v10;
	v16 =	vadd.f32 v16, v11  }
0x87: {  	v13 =	vadd.f32 v17, v13;
	v11 =	vmul.f32 $5.000000000e-01, v12  }
0x88: {  	s3 =	simm.s32 $0xB;
	v14 =	vadd.f32 v15, v14;
	v12 =	vmul.f32 $5.000000000e-01, v16  }
.LBB2_11:
0x89: {  	p0 =	sne.s32 s3, $0x1;
	s3 =	sadd.s32 $0xFFFFFFFF, s3;
	(erf) = vrcp.f32 v11;
	v13 =	vmul.f32 $5.000000000e-01, v13  }
0x8a: {  	(erf) = vrcp.f32 v12;
	v14 =	vmul.f32 $5.000000000e-01, v14  }
0x8b: {  	(erf) = vrcp.f32 v13  }
0x8c: {  	(erf) = vrcp.f32 v14;
	_ =	sdelay $0x5  }
0x8d: {  	v15 =	vpop (erf)  }
0x8e: {  	v18 =	vmul.f32 v15, v7;
	v16 =	vpop (erf)  }
.Ltmp6:
0x8f: {  	v16 =	vmul.f32 v16, v8;
	v17 =	vpop (erf);
	(pc) =	sbr.rel @p0 .LBB2_11-.Ltmp6, $4  }
0x90: {  	v17 =	vmul.f32 v17, v9;
	v11 =	vadd.f32 v18, v11;
	v15 =	vpop (erf)  }
0x91: {  	v15 =	vmul.f32 v15, v10;
	v12 =	vadd.f32 v16, v12  }
0x92: {  	v13 =	vadd.f32 v17, v13;
	v11 =	vmul.f32 $5.000000000e-01, v11  }
0x93: {  	v14 =	vadd.f32 v15, v14;
	v12 =	vmul.f32 $5.000000000e-01, v12  }
0x94: {  	_ = 	snop  }
0x95: {  	v7 =	vmul.f32 $5.000000000e-01, v14  }
0x96: {  	v8 =	vmul.f32 $5.000000000e-01, v13  }
0x97: {  	v6 =	vmul.f32 v6, v7  }
0x98: {  	v5 =	vmul.f32 v5, v8  }
0x99: {  	v6 =	vmul.f32 $2.000000030e-01, v6  }
0x9a: {  	v4 =	vmul.f32 v4, v12;
	v5 =	vmul.f32 $2.000000030e-01, v5  }
0x9b: {  	vm0 =	veq.s32 v2, $0x7F;
	v6 =	vadd.f32 $0.0e+00, v6  }
0x9c: {  	v3 =	vmul.f32 v3, v11;
	v4 =	vmul.f32 $2.000000030e-01, v4;
	v2 =	vsel vm0, $0x0, v5  }
0x9d: {  	vm14 =	veq.s32 v1, $0x7F;
	v2 =	vadd.f32 v2, v6  }
0x9e: {  	v3 =	vmul.f32 $2.000000030e-01, v3;
	v1 =	vsel vm14, $0x0, v4  }
0x9f: {  	vm15 =	vlt.u32 v0, $0x7F;
	v1 =	vadd.f32 v1, v2  }
0xa0: {  	v0 =	vnsel vm15, $0x0, v3  }
0xa1: {  	v0 =	vadd.f32 v0, v1;
	_ =	sdelay $0x1  }
0xa2: {  	v0 =	vmul.f32 $9.920635490e-04, v0;
	_ =	sdelay $0x1  }
0xa3: {  	s3 =	simm.s32 $0x0;
	s4 =	simm.s32 $0x4080;
	s31 =	simm.s32 $0x1;
	[tilespmem:$0x4080] =	vst v0  }
0xa4: {  	[hbm4b:s2+s3] =	stream.linear.scatter [tilespmem:s4], [sflag:$0x1], $0x80, $0x38;
	[tilespmem:$0x4100] =	vst v63  }
0xa5: {  	_ =	swait.ge [sflag:s31], $0x80  }
0xa6: {  	[sflag:s31] =	ssyncset.done $0x0  }
0xa7: {  	[sflag:s31] =	ssyncadd.s32 $0xFFFFFF80  }
0xa8: {  	_ =	sfence.sel $0x180000  }
0xa9: {  	[bflag:$0x0] =	sbarrier.arrive $0xFFFF  }
0xaa: {  	p0 =	sne.s32 s1, $0x0;
	_ =	strace $0x90000047  }
0xab: {  	s0 =	sadd.s32 @!p0 $0x100000, s0;
	[bflag:$0x2] =	sbarrier.arrive $0xFFFF  }
0xac: {  	[sflag:s0] =	ssyncadd.tile.s32 @!p0 $0x1;
	_ =	shalt  }
.LBB2_3:
.Ltmp7:
0xad: {  	(pc) =	sbr.rel .LBB2_8-.Ltmp7, $2  }
0xae: {  	_ =	sdelay $0x2  }
0xaf: {  	_ = 	snop  }
.LBB2_5:
.Ltmp8:
0xb0: {  	(pc) =	sbr.rel .LBB2_8-.Ltmp8, $2  }
0xb1: {  	_ =	sdelay $0x2  }
0xb2: {  	v19 =	vmov v18  }
.Lfunc_end2:
_tile_overlayer_lowered:
.L_overlay_start_2:
0xb3: {  	(tag) =	ssettag $0x2  }
0xb4: {  	s0 =	rddreg [dreg:$0x0];
	s2 =	stileid.u32  }
0xb5: {  	s1 =	rddreg [dreg:$0x1];
	p0 =	sne.s32 s2, $0x0  }
0xb6: {  	s3 =	rddreg [dreg:$0x2];
	[bflag:$0x3] =	sbarrier.arrive $0xFFFF;
	s2 =	simm.s32 @!p0 $0x1C01  }
0xb7: {  	[timem:s3], [sflag:s2] =	dma.local @!p0 [hbm:s0], s1  }
0xb8: {  	s0 =	simm.s32 @!p0 $0x1  }
0xb9: {  	_ =	swait.ge @!p0 [sflag:s0], s1  }
0xba: {  	s1 =	ssub.s32 @!p0 $0x0, s1;
	[sflag:s0] =	ssyncset.done @!p0 $0x0  }
0xbb: {  	[sflag:s0] =	ssyncadd.s32 @!p0 s1  }
0xbc: {  	[bflag:$0x3] =	sbarrier.arrive $0xFFFF  }
0xbd: {  	_ =	shalt  }

</sc_bundles>
